<compile_context>
chip_gen: v7x
topology: tpu7x:2x2x1
jax: 0.10.2.dev20260603
libtpu: 0.0.44.dev20260713+nightly
codegen_flags: <defaults>
</compile_context>

<pallas_src>
import functools

import jax
import jax.numpy as jnp
from jax import lax
from jax.experimental import pallas as pl
from jax.experimental.pallas import tpu as pltpu
from jax.experimental.pallas import tpu_sc as plsc

B, C, H, W = 4, 192, 128, 128
N = H * W
K = 512
CHUNK = 2048
NB = N // CHUNK
SCALE = float(C) ** -0.5


def _match_body(kp_ref, f0_ref, f1_ref, out_ref, q_ref, m_ref, s_ref, axy_ref):
    p = pl.program_id(1)
    j = pl.program_id(2)

    @pl.when((p == 0) & (j == 0))
    def _init_q():
        q_ref[...] = jnp.zeros_like(q_ref)

    @pl.when(p == 0)
    def _gather():
        kp = kp_ref[0, 0, :]
        ids = lax.broadcasted_iota(jnp.int32, (K, CHUNK), 1) + j * CHUNK
        oh = (kp[:, None] == ids).astype(jnp.float32)
        q_ref[...] += lax.dot_general(
            oh, f0_ref[0], (((1,), (1,)), ((), ())),
            preferred_element_type=jnp.float32)

    @pl.when((p == 1) & (j == 0))
    def _init_stats():
        m_ref[...] = jnp.full_like(m_ref, -jnp.inf)
        s_ref[...] = jnp.zeros_like(s_ref)
        axy_ref[...] = jnp.zeros_like(axy_ref)

    @pl.when(p == 1)
    def _match():
        c = lax.dot_general(
            q_ref[...].astype(jnp.bfloat16), f1_ref[0].astype(jnp.bfloat16),
            (((1,), (0,)), ((), ())),
            preferred_element_type=jnp.float32) * SCALE
        m_new = jnp.maximum(m_ref[...], jnp.max(c, axis=1, keepdims=True))
        alpha = jnp.exp(m_ref[...] - m_new)
        pr = jnp.exp(c - m_new)
        n2 = lax.broadcasted_iota(jnp.int32, (CHUNK, 2), 0) + j * CHUNK
        is_x = lax.broadcasted_iota(jnp.int32, (CHUNK, 2), 1) == 0
        gxy = jnp.where(is_x, n2 % W, n2 // W).astype(jnp.float32)
        m_ref[...] = m_new
        s_ref[...] = s_ref[...] * alpha + jnp.sum(pr, axis=1, keepdims=True)
        axy_ref[...] = axy_ref[...] * alpha + lax.dot_general(
            pr, gxy, (((1,), (0,)), ((), ())),
            preferred_element_type=jnp.float32)

    @pl.when((p == 1) & (j == NB - 1))
    def _finish():
        out_ref[0] = (axy_ref[...] / s_ref[...]).T


def _match(kp_ind, f0, f1):
    return pl.pallas_call(
        _match_body,
        grid=(B, 2, NB),
        in_specs=[
            pl.BlockSpec((1, 1, K), lambda b, p, j: (b, 0, 0)),
            pl.BlockSpec((1, C, CHUNK), lambda b, p, j: (b, 0, j * (1 - p))),
            pl.BlockSpec((1, C, CHUNK), lambda b, p, j: (b, 0, j * p)),
        ],
        out_specs=pl.BlockSpec((1, 2, K), lambda b, p, j: (b, 0, 0)),
        out_shape=jax.ShapeDtypeStruct((B, 2, K), jnp.float32),
        scratch_shapes=[
            pltpu.VMEM((K, C), jnp.float32),
            pltpu.VMEM((K, 1), jnp.float32),
            pltpu.VMEM((K, 1), jnp.float32),
            pltpu.VMEM((K, 2), jnp.float32),
        ],
        compiler_params=pltpu.CompilerParams(
            dimension_semantics=("arbitrary", "arbitrary", "arbitrary")),
    )(kp_ind, f0, f1)


NBUCKET = 2048
BSHIFT = 19


def _scalar(v16):
    return lax.reduce_max(v16, (0,))


def _topk_body(imp_hbm, kp_hbm, imp_v, hist_v, cand_v, out_v):
    wid = lax.axis_index("s") * 2 + lax.axis_index("c")
    iota = lax.iota(jnp.int32, 16)

    @pl.when(wid < B)
    def _work():
        pltpu.sync_copy(imp_hbm.at[wid], imp_v)
        zeros = jnp.zeros((16,), jnp.int32)
        ones = jnp.full((16,), 1, jnp.int32)

        def _zero(i, c):
            hist_v[pl.ds(i * 16, 16)] = zeros
            return c

        lax.fori_loop(0, NBUCKET // 16, _zero, 0)

        def _hist(i, c):
            bits = plsc.bitcast(imp_v[pl.ds(i * 16, 16)], jnp.int32)
            plsc.addupdate_scatter(hist_v, [bits >> BSHIFT], ones)
            return c

        lax.fori_loop(0, N // 16, _hist, 0)

        def _suffix2(i, carry):
            cum_in, t_b, n_above, found = carry
            c = NBUCKET // 16 - 1 - i
            h = hist_v[pl.ds(c * 16, 16)]
            h_rev = lax.rev(h, (0,))
            cum = plsc.cumsum(h_rev) + cum_in
            mask = cum >= K
            has = plsc.all_reduce_population_count(mask)
            lane = plsc.all_reduce_ffs(mask)
            hit = jnp.logical_and(found == 0, _scalar(has) > 0)
            sel = (iota == lane).astype(jnp.int32)
            t_hit = c * 16 + 15 - _scalar(lane)
            n_hit = lax.reduce_max(sel * (cum - h_rev), (0,))
            chunk_total = lax.reduce_sum(h, (0,))
            return (cum_in + chunk_total,
                    jnp.where(hit, t_hit, t_b),
                    jnp.where(hit, n_hit, n_above),
                    jnp.where(hit, 1, found))

        _, t_bucket, n_above, _ = lax.fori_loop(
            0, NBUCKET // 16, _suffix2, (0, 0, 0, 0))
        quota = K - n_above

        def _compact(i, off):
            v = imp_v[pl.ds(i * 16, 16)]
            bits = plsc.bitcast(v, jnp.int32)
            mask = (bits >> BSHIFT) == t_bucket
            plsc.store_compressed(cand_v.at[pl.ds(off, 16)], v, mask=mask)
            return off + _scalar(plsc.all_reduce_population_count(mask))

        m = lax.fori_loop(0, N // 16, _compact, 0)
        nchunk = (m + 15) // 16

        def _count_ge(t):
            def _cg(i, acc):
                bits = plsc.bitcast(cand_v[pl.ds(i * 16, 16)], jnp.int32)
                valid = (i * 16 + iota) < m
                return acc + _scalar(plsc.all_reduce_population_count(
                    jnp.logical_and(bits >= t, valid)))

            return lax.fori_loop(0, nchunk, _cg, 0)

        def _bs_cond(c):
            lo, hi = c
            return hi - lo > 1

        def _bs_body(c):
            lo, hi = c
            mid = (lo + hi) >> 1
            cnt = _count_ge(mid)
            return (jnp.where(cnt >= quota, mid, lo),
                    jnp.where(cnt >= quota, hi, mid))

        t2, _ = lax.while_loop(
            _bs_cond, _bs_body,
            (t_bucket << BSHIFT, (t_bucket + 1) << BSHIFT))

        def _emit_gt(i, off):
            bits = plsc.bitcast(imp_v[pl.ds(i * 16, 16)], jnp.int32)
            mask = bits > t2
            plsc.store_compressed(out_v.at[pl.ds(off, 16)], i * 16 + iota, mask=mask)
            return off + _scalar(plsc.all_reduce_population_count(mask))

        n_gt = lax.fori_loop(0, N // 16, _emit_gt, 0)

        def _emit_eq(i, carry):
            off, taken = carry
            bits = plsc.bitcast(imp_v[pl.ds(i * 16, 16)], jnp.int32)
            mask_eq = bits == t2
            prefix = plsc.cumsum(mask_eq.astype(jnp.int32))
            keep = jnp.logical_and(mask_eq, taken + prefix <= K - n_gt)
            plsc.store_compressed(out_v.at[pl.ds(off, 16)], i * 16 + iota, mask=keep)
            cnt = _scalar(plsc.all_reduce_population_count(keep))
            return (off + cnt, taken + cnt)

        lax.fori_loop(0, N // 16, _emit_eq, (n_gt, 0))
        pltpu.sync_copy(out_v.at[pl.ds(0, K)], kp_hbm.at[wid])


def _topk(imp):
    mesh = plsc.VectorSubcoreMesh(core_axis_name="c", subcore_axis_name="s")
    fn = pl.kernel(
        _topk_body,
        mesh=mesh,
        out_type=jax.ShapeDtypeStruct((B, K), jnp.int32),
        scratch_types=[
            pltpu.VMEM((N,), jnp.float32),
            pltpu.VMEM((NBUCKET,), jnp.int32),
            pltpu.VMEM((N + 16,), jnp.float32),
            pltpu.VMEM((K + 16,), jnp.int32),
        ],
        compiler_params=pltpu.CompilerParams(needs_layout_passes=False),
    )
    return fn(imp)


def _scatter_body(out_hbm, kp_hbm, flow_hbm, plane_v, kp_v, val_v):
    wid = lax.axis_index("s") * 2 + lax.axis_index("c")

    @pl.when(wid < B * 2)
    def _work():
        b = wid // 2
        comp = wid % 2
        zeros = jnp.zeros((16,), jnp.float32)

        def _zero(i, carry):
            plane_v[pl.ds(i * 16, 16)] = zeros
            return carry

        lax.fori_loop(0, N // 16, _zero, 0)
        pltpu.sync_copy(kp_hbm.at[b], kp_v)
        pltpu.sync_copy(out_hbm.at[b, comp], val_v)

        def _scatter(i, carry):
            idx = kp_v[pl.ds(i * 16, 16)]
            v = val_v[pl.ds(i * 16, 16)]
            coord = (1 - comp) * (idx & (W - 1)) + comp * (idx >> 7)
            plsc.store_scatter(plane_v, [idx], v - coord.astype(jnp.float32))
            return carry

        lax.fori_loop(0, K // 16, _scatter, 0)
        pltpu.sync_copy(plane_v, flow_hbm.at[b, comp])


def _scatter(out, kp_ind):
    mesh = plsc.VectorSubcoreMesh(core_axis_name="c", subcore_axis_name="s")
    fn = pl.kernel(
        _scatter_body,
        mesh=mesh,
        out_type=jax.ShapeDtypeStruct((B, 2, N), jnp.float32),
        scratch_types=[
            pltpu.VMEM((N,), jnp.float32),
            pltpu.VMEM((K,), jnp.int32),
            pltpu.VMEM((K,), jnp.float32),
        ],
        compiler_params=pltpu.CompilerParams(needs_layout_passes=False),
    )
    return fn(out, kp_ind)


def kernel(feature0, feature1, importance_map):
    f0 = feature0.reshape(B, C, N)
    f1 = feature1.reshape(B, C, N)
    imp = importance_map.reshape(B, N)
    kp_ind = _topk(imp)
    out = _match(kp_ind.reshape(B, 1, K), f0, f1)
    flow = _scatter(out, kp_ind)
    return flow.reshape(B, 2, H, W)

# --- scband reference (transcript-rebuilt; emitter-appended) ---
"""Pipeline reference for scband-matching-block-39960375722527 (READ-ONLY COPY).

The authoritative reference and input builder live on the scoring server;
editing this copy changes nothing except your own understanding.
"""

import jax, jax.numpy as jnp
import numpy as np

NUM_KEY_POINTS = 512


def coords_grid(b, h, w):
    ys, xs = jnp.meshgrid(jnp.arange(h, dtype=jnp.float32), jnp.arange(w, dtype=jnp.float32), indexing='ij')
    grid = jnp.stack([xs, ys], axis=0)  # [2, H, W], (x, y) channel order
    return jnp.broadcast_to(grid[None], (b, 2, h, w))


def setup_inputs(seed: int = 0) -> dict:
    key = jax.random.key(seed)
    k0, k1, k2 = jax.random.split(key, 3)
    feature0 = jax.random.normal(k0, (4, 192, 128, 128), dtype=jnp.float32)
    feature1 = jax.random.normal(k1, (4, 192, 128, 128), dtype=jnp.float32)
    importance_map = jax.random.uniform(k2, (4, 1, 128, 128), dtype=jnp.float32)
    return {"feature0": feature0, "feature1": feature1, "importance_map": importance_map}


def reference(feature0, feature1, importance_map):
    b, c, h, w = feature0.shape
    n = h * w
    # flatten features to [B, HW, C]
    f0 = feature0.reshape(b, c, n).transpose(0, 2, 1)
    f1 = feature1.reshape(b, c, n).transpose(0, 2, 1)
    # sample_key_points: topk over importance map
    imp = importance_map.reshape(b, n)
    _, kp_ind = jax.lax.top_k(imp, NUM_KEY_POINTS)  # [B, K]
    kp = jnp.take_along_axis(f0, kp_ind[:, :, None], axis=1)  # [B, K, C] gathered key features
    # global_matching: sparse-query full-attention over all HW positions
    corr = jnp.matmul(kp, f1.transpose(0, 2, 1)) / jnp.sqrt(jnp.asarray(c, jnp.float32))  # [B, K, HW]
    prob = jax.nn.softmax(corr, axis=-1)
    grid = coords_grid(b, h, w).reshape(b, 2, n).transpose(0, 2, 1)  # [B, HW, 2]
    out = jnp.matmul(prob, grid)  # [B, K, 2] expected target coords
    # scatter matched coords back to dense map at key positions
    batch_idx = jnp.arange(b)[:, None]
    flow_fix = jnp.zeros((b, n, 2), jnp.float32).at[batch_idx, kp_ind].set(out)
    key_pos = jnp.zeros((b, n, 2), jnp.float32).at[batch_idx, kp_ind].set(1.0)
    grid_masked = grid * key_pos
    flow_fix = flow_fix - grid_masked
    flow_fix = flow_fix.reshape(b, h, w, 2).transpose(0, 3, 1, 2)  # [B, 2, H, W]
    return flow_fix

if __name__ == "__main__":
    import jax
    _d = setup_inputs()
    print(jax.jit(kernel)(*tuple(_d.values())))

</pallas_src>

<mosaic_0001>
#map = affine_map<(d0, d1) -> (0, 0, 0)>
#map1 = affine_map<(d0, d1) -> (0, 0)>
module attributes {stable_mosaic.version = 14 : i64} {
  func.func @_scatter_body(%arg0: i32, %arg1: i32, %arg2: memref<4x2x512xf32, #tpu.memory_space<hbm>>, %arg3: memref<4x512xi32, #tpu.memory_space<hbm>>, %arg4: memref<4x2x16384xf32, #tpu.memory_space<hbm>>, %arg5: memref<16384xf32, #tpu.memory_space<vmem>>, %arg6: memref<512xi32, #tpu.memory_space<vmem>>, %arg7: memref<512xf32, #tpu.memory_space<vmem>>) attributes {dimension_semantics = [#tpu.dimension_semantics<core_parallel>, #tpu.dimension_semantics<subcore_parallel>], iteration_bounds = array<i64: 2, 16>, scalar_prefetch = 0 : i64, scratch_operands = 3 : i64, tpu.core_type = #tpu.core_type<sc_vector_subcore>, window_params = [{transform_indices = #map}, {transform_indices = #map1}, {transform_indices = #map}]} {
    %mul3A = arith.constant 2 : i32
    %mul3A_0 = arith.muli %arg1, %mul3A : i32
    %add3A = arith.addi %mul3A_0, %arg0 : i32
    %lt3A = arith.constant 8 : i32
    %lt3A_1 = arith.cmpi slt, %add3A, %lt3A : i32
    %convert_element_type3A = arith.extui %lt3A_1 : i1 to i32
    %cond3A = arith.constant 0 : i32
    %cond3A_2 = arith.cmpi ne, %convert_element_type3A, %cond3A : i32
    scf.if %cond3A_2 {
      %jit3A = arith.constant 2 : i32
      %div3A = arith.divsi %add3A, %jit3A : i32
      %sign3A = arith.constant 0 : i32
      %sign3A_3 = arith.cmpi sgt, %add3A, %sign3A : i32
      %sign3A_4 = arith.extui %sign3A_3 : i1 to i32
      %sign3A_5 = arith.constant 0 : i32
      %sign3A_6 = arith.cmpi slt, %add3A, %sign3A_5 : i32
      %sign3A_7 = arith.extui %sign3A_6 : i1 to i32
      %sign3A_8 = arith.subi %sign3A_4, %sign3A_7 : i32
      %sign3A_9 = arith.constant 0 : i32
      %sign3A_10 = arith.cmpi sgt, %jit3A, %sign3A_9 : i32
      %sign3A_11 = arith.extui %sign3A_10 : i1 to i32
      %sign3A_12 = arith.constant 0 : i32
      %sign3A_13 = arith.cmpi slt, %jit3A, %sign3A_12 : i32
      %sign3A_14 = arith.extui %sign3A_13 : i1 to i32
      %sign3A_15 = arith.subi %sign3A_11, %sign3A_14 : i32
      %ne3A = arith.cmpi ne, %sign3A_8, %sign3A_15 : i32
      %rem3A = arith.remsi %add3A, %jit3A : i32
      %ne3A_16 = arith.constant 0 : i32
      %ne3A_17 = arith.cmpi ne, %rem3A, %ne3A_16 : i32
      %and3A = arith.andi %ne3A, %ne3A_17 : i1
      %sub3A = arith.constant 1 : i32
      %sub3A_18 = arith.subi %div3A, %sub3A : i32
      %select_n3A = arith.select %and3A, %sub3A_18, %div3A : i32
      %jit3A_19 = arith.constant 2 : i32
      %eq3A = arith.constant 0 : i32
      %eq3A_20 = arith.cmpi eq, %jit3A_19, %eq3A : i32
      %jit3A_21 = arith.constant 1 : i32
      %select_n3A_22 = arith.select %eq3A_20, %jit3A_21, %jit3A_19 : i32
      %rem3A_23 = arith.remsi %add3A, %select_n3A_22 : i32
      %ne3A_24 = arith.constant 0 : i32
      %ne3A_25 = arith.cmpi ne, %rem3A_23, %ne3A_24 : i32
      %lt3A_26 = arith.constant 0 : i32
      %lt3A_27 = arith.cmpi slt, %rem3A_23, %lt3A_26 : i32
      %lt3A_28 = arith.constant 0 : i32
      %lt3A_29 = arith.cmpi slt, %select_n3A_22, %lt3A_28 : i32
      %ne3A_30 = arith.xori %lt3A_27, %lt3A_29 : i1
      %and3A_31 = arith.andi %ne3A_30, %ne3A_25 : i1
      %add3A_32 = arith.addi %rem3A_23, %select_n3A_22 : i32
      %select_n3A_33 = arith.select %and3A_31, %add3A_32, %rem3A_23 : i32
      %broadcast_in_dim3A = arith.constant 0.000000e+00 : f32
      %broadcast_in_dim3A_34 = vector.broadcast %broadcast_in_dim3A : f32 to vector<16xf32>
      %scan3A = arith.constant 0 : i32
      %scan3A_35 = arith.constant 0 : i32
      %scan3A_36 = arith.constant 1024 : i32
      %scan3A_37 = arith.addi %scan3A_35, %scan3A_36 : i32
      %scan3A_38 = arith.constant 1 : i32
      scf.for %scan3A_46 = %scan3A_35 to %scan3A_37 step %scan3A_38  : i32 {
        %mul3A_47 = arith.constant 16 : i32
        %mul3A_48 = arith.muli %scan3A_46, %mul3A_47 : i32
        %swap3A = arith.index_cast %mul3A_48 : i32 to index
        %swap3A_49 = tpu.vector_load %arg5[%swap3A] {strides = array<i32>} : memref<16384xf32, #tpu.memory_space<vmem>>, vector<16xf32>,
        tpu.vector_store %arg5[%swap3A], %broadcast_in_dim3A_34 {strides = array<i32>} : memref<16384xf32, #tpu.memory_space<vmem>>, vector<16xf32>,
      }
      %scan3A_39 = arith.constant 1024 : i32
      "tpu.region"() ({
        %run_scoped3A = tpu.sem_alloc : memref<!tpu.dma_semaphore, #tpu.memory_space<semaphore_mem>>
        %dma_start3A = arith.constant 0 : i32
        %dma_start3A_46 = tpu.memref_slice %arg3[%select_n3A, %dma_start3A] : memref<4x512xi32, #tpu.memory_space<hbm>> -> memref<1x512xi32, #tpu.memory_space<hbm>>
        %dma_start3A_47 = tpu.memref_squeeze %dma_start3A_46 : memref<1x512xi32, #tpu.memory_space<hbm>> -> memref<512xi32, #tpu.memory_space<hbm>>
        %dma_start3A_48 = arith.constant 0 : i32
        %dma_start3A_49 = tpu.memref_slice %arg3[%select_n3A, %dma_start3A_48] : memref<4x512xi32, #tpu.memory_space<hbm>> -> memref<1x512xi32, #tpu.memory_space<hbm>>
        %dma_start3A_50 = tpu.memref_squeeze %dma_start3A_49 : memref<1x512xi32, #tpu.memory_space<hbm>> -> memref<512xi32, #tpu.memory_space<hbm>>
        tpu.enqueue_dma source(%dma_start3A_50 : memref<512xi32, #tpu.memory_space<hbm>>) target(%arg6 : memref<512xi32, #tpu.memory_space<vmem>>) target_semaphore(%run_scoped3A : memref<!tpu.dma_semaphore, #tpu.memory_space<semaphore_mem>>)
        %dma_wait3A = arith.constant 0 : i32
        %dma_wait3A_51 = tpu.memref_slice %arg3[%select_n3A, %dma_wait3A] : memref<4x512xi32, #tpu.memory_space<hbm>> -> memref<1x512xi32, #tpu.memory_space<hbm>>
        %dma_wait3A_52 = tpu.memref_squeeze %dma_wait3A_51 : memref<1x512xi32, #tpu.memory_space<hbm>> -> memref<512xi32, #tpu.memory_space<hbm>>
        %dma_wait3A_53 = arith.constant 0 : i32
        %dma_wait3A_54 = tpu.memref_slice %arg3[%select_n3A, %dma_wait3A_53] : memref<4x512xi32, #tpu.memory_space<hbm>> -> memref<1x512xi32, #tpu.memory_space<hbm>>
        %dma_wait3A_55 = tpu.memref_squeeze %dma_wait3A_54 : memref<1x512xi32, #tpu.memory_space<hbm>> -> memref<512xi32, #tpu.memory_space<hbm>>
        tpu.wait_dma2 semaphore(%run_scoped3A : memref<!tpu.dma_semaphore, #tpu.memory_space<semaphore_mem>>) src(%dma_wait3A_55 : memref<512xi32, #tpu.memory_space<hbm>>) dst(%arg6 : memref<512xi32, #tpu.memory_space<vmem>>)
        tpu.yield
      }) : () -> ()
      "tpu.region"() ({
        %run_scoped3A = tpu.sem_alloc : memref<!tpu.dma_semaphore, #tpu.memory_space<semaphore_mem>>
        %dma_start3A = arith.constant 0 : i32
        %dma_start3A_46 = tpu.memref_slice %arg2[%select_n3A, %select_n3A_33, %dma_start3A] : memref<4x2x512xf32, #tpu.memory_space<hbm>> -> memref<1x1x512xf32, #tpu.memory_space<hbm>>
        %dma_start3A_47 = tpu.memref_squeeze %dma_start3A_46 : memref<1x1x512xf32, #tpu.memory_space<hbm>> -> memref<512xf32, #tpu.memory_space<hbm>>
        %dma_start3A_48 = arith.constant 0 : i32
        %dma_start3A_49 = tpu.memref_slice %arg2[%select_n3A, %select_n3A_33, %dma_start3A_48] : memref<4x2x512xf32, #tpu.memory_space<hbm>> -> memref<1x1x512xf32, #tpu.memory_space<hbm>>
        %dma_start3A_50 = tpu.memref_squeeze %dma_start3A_49 : memref<1x1x512xf32, #tpu.memory_space<hbm>> -> memref<512xf32, #tpu.memory_space<hbm>>
        tpu.enqueue_dma source(%dma_start3A_50 : memref<512xf32, #tpu.memory_space<hbm>>) target(%arg7 : memref<512xf32, #tpu.memory_space<vmem>>) target_semaphore(%run_scoped3A : memref<!tpu.dma_semaphore, #tpu.memory_space<semaphore_mem>>)
        %dma_wait3A = arith.constant 0 : i32
        %dma_wait3A_51 = tpu.memref_slice %arg2[%select_n3A, %select_n3A_33, %dma_wait3A] : memref<4x2x512xf32, #tpu.memory_space<hbm>> -> memref<1x1x512xf32, #tpu.memory_space<hbm>>
        %dma_wait3A_52 = tpu.memref_squeeze %dma_wait3A_51 : memref<1x1x512xf32, #tpu.memory_space<hbm>> -> memref<512xf32, #tpu.memory_space<hbm>>
        %dma_wait3A_53 = arith.constant 0 : i32
        %dma_wait3A_54 = tpu.memref_slice %arg2[%select_n3A, %select_n3A_33, %dma_wait3A_53] : memref<4x2x512xf32, #tpu.memory_space<hbm>> -> memref<1x1x512xf32, #tpu.memory_space<hbm>>
        %dma_wait3A_55 = tpu.memref_squeeze %dma_wait3A_54 : memref<1x1x512xf32, #tpu.memory_space<hbm>> -> memref<512xf32, #tpu.memory_space<hbm>>
        tpu.wait_dma2 semaphore(%run_scoped3A : memref<!tpu.dma_semaphore, #tpu.memory_space<semaphore_mem>>) src(%dma_wait3A_55 : memref<512xf32, #tpu.memory_space<hbm>>) dst(%arg7 : memref<512xf32, #tpu.memory_space<vmem>>)
        tpu.yield
      }) : () -> ()
      %scan3A_40 = arith.constant 0 : i32
      %scan3A_41 = arith.constant 0 : i32
      %scan3A_42 = arith.constant 32 : i32
      %scan3A_43 = arith.addi %scan3A_41, %scan3A_42 : i32
      %scan3A_44 = arith.constant 1 : i32
      scf.for %scan3A_46 = %scan3A_41 to %scan3A_43 step %scan3A_44  : i32 {
        %mul3A_47 = arith.constant 16 : i32
        %mul3A_48 = arith.muli %scan3A_46, %mul3A_47 : i32
        %get3A = arith.index_cast %mul3A_48 : i32 to index
        %get3A_49 = tpu.vector_load %arg6[%get3A] {strides = array<i32>} : memref<512xi32, #tpu.memory_space<vmem>>, vector<16xi32>,
        %mul3A_50 = arith.constant 16 : i32
        %mul3A_51 = arith.muli %scan3A_46, %mul3A_50 : i32
        %get3A_52 = arith.index_cast %mul3A_51 : i32 to index
        %get3A_53 = tpu.vector_load %arg7[%get3A_52] {strides = array<i32>} : memref<512xf32, #tpu.memory_space<vmem>>, vector<16xf32>,
        %sub3A_54 = arith.constant 1 : i32
        %sub3A_55 = arith.subi %sub3A_54, %select_n3A_33 : i32
        %and3A_56 = arith.constant 127 : i32
        %and3A_57 = vector.broadcast %and3A_56 : i32 to vector<16xi32>
        %and3A_58 = arith.andi %get3A_49, %and3A_57 : vector<16xi32>
        %mul3A_59 = vector.broadcast %sub3A_55 : i32 to vector<16xi32>
        %mul3A_60 = arith.muli %mul3A_59, %and3A_58 : vector<16xi32>
        %shift_right_arithmetic3A = arith.constant 7 : i32
        %shift_right_arithmetic3A_61 = vector.broadcast %shift_right_arithmetic3A : i32 to vector<16xi32>
        %shift_right_arithmetic3A_62 = arith.shrsi %get3A_49, %shift_right_arithmetic3A_61 : vector<16xi32>
        %mul3A_63 = vector.broadcast %select_n3A_33 : i32 to vector<16xi32>
        %mul3A_64 = arith.muli %mul3A_63, %shift_right_arithmetic3A_62 : vector<16xi32>
        %add3A_65 = arith.addi %mul3A_60, %mul3A_64 : vector<16xi32>
        %convert_element_type3A_66 = arith.sitofp %add3A_65 : vector<16xi32> to vector<16xf32>
        %sub3A_67 = arith.subf %get3A_53, %convert_element_type3A_66 : vector<16xf32>
        tpu.vector_store_idx %arg5[%get3A_49], %sub3A_67 : memref<16384xf32, #tpu.memory_space<vmem>>[vector<16xi32>], vector<16xf32>,
      }
      %scan3A_45 = arith.constant 32 : i32
      "tpu.region"() ({
        %run_scoped3A = tpu.sem_alloc : memref<!tpu.dma_semaphore, #tpu.memory_space<semaphore_mem>>
        %dma_start3A = arith.constant 0 : i32
        %dma_start3A_46 = tpu.memref_slice %arg4[%select_n3A, %select_n3A_33, %dma_start3A] : memref<4x2x16384xf32, #tpu.memory_space<hbm>> -> memref<1x1x16384xf32, #tpu.memory_space<hbm>>
        %dma_start3A_47 = tpu.memref_squeeze %dma_start3A_46 : memref<1x1x16384xf32, #tpu.memory_space<hbm>> -> memref<16384xf32, #tpu.memory_space<hbm>>
        %dma_start3A_48 = arith.constant 0 : i32
        %dma_start3A_49 = tpu.memref_slice %arg4[%select_n3A, %select_n3A_33, %dma_start3A_48] : memref<4x2x16384xf32, #tpu.memory_space<hbm>> -> memref<1x1x16384xf32, #tpu.memory_space<hbm>>
        %dma_start3A_50 = tpu.memref_squeeze %dma_start3A_49 : memref<1x1x16384xf32, #tpu.memory_space<hbm>> -> memref<16384xf32, #tpu.memory_space<hbm>>
        tpu.enqueue_dma source(%arg5 : memref<16384xf32, #tpu.memory_space<vmem>>) target(%dma_start3A_50 : memref<16384xf32, #tpu.memory_space<hbm>>) target_semaphore(%run_scoped3A : memref<!tpu.dma_semaphore, #tpu.memory_space<semaphore_mem>>)
        %dma_wait3A = arith.constant 0 : i32
        %dma_wait3A_51 = tpu.memref_slice %arg4[%select_n3A, %select_n3A_33, %dma_wait3A] : memref<4x2x16384xf32, #tpu.memory_space<hbm>> -> memref<1x1x16384xf32, #tpu.memory_space<hbm>>
        %dma_wait3A_52 = tpu.memref_squeeze %dma_wait3A_51 : memref<1x1x16384xf32, #tpu.memory_space<hbm>> -> memref<16384xf32, #tpu.memory_space<hbm>>
        %dma_wait3A_53 = arith.constant 0 : i32
        %dma_wait3A_54 = tpu.memref_slice %arg4[%select_n3A, %select_n3A_33, %dma_wait3A_53] : memref<4x2x16384xf32, #tpu.memory_space<hbm>> -> memref<1x1x16384xf32, #tpu.memory_space<hbm>>
        %dma_wait3A_55 = tpu.memref_squeeze %dma_wait3A_54 : memref<1x1x16384xf32, #tpu.memory_space<hbm>> -> memref<16384xf32, #tpu.memory_space<hbm>>
        tpu.wait_dma2 semaphore(%run_scoped3A : memref<!tpu.dma_semaphore, #tpu.memory_space<semaphore_mem>>) src(%arg5 : memref<16384xf32, #tpu.memory_space<vmem>>) dst(%dma_wait3A_55 : memref<16384xf32, #tpu.memory_space<hbm>>)
        tpu.yield
      }) : () -> ()
    } else {
    }
    return
  }
}

#map = affine_map<(d0, d1) -> (0, 0)>
module attributes {stable_mosaic.version = 14 : i64} {
  func.func @_topk_body(%arg0: i32, %arg1: i32, %arg2: memref<4x16384xf32, #tpu.memory_space<hbm>>, %arg3: memref<4x512xi32, #tpu.memory_space<hbm>>, %arg4: memref<16384xf32, #tpu.memory_space<vmem>>, %arg5: memref<2048xi32, #tpu.memory_space<vmem>>, %arg6: memref<16400xf32, #tpu.memory_space<vmem>>, %arg7: memref<528xi32, #tpu.memory_space<vmem>>) attributes {dimension_semantics = [#tpu.dimension_semantics<core_parallel>, #tpu.dimension_semantics<subcore_parallel>], iteration_bounds = array<i64: 2, 16>, scalar_prefetch = 0 : i64, scratch_operands = 4 : i64, tpu.core_type = #tpu.core_type<sc_vector_subcore>, window_params = [{transform_indices = #map}, {transform_indices = #map}]} {
    %mul3A = arith.constant 2 : i32
    %mul3A_0 = arith.muli %arg1, %mul3A : i32
    %add3A = arith.addi %mul3A_0, %arg0 : i32
    %iota3A = tpu.iota {dimensions = array<i32: 0>} : vector<16xi32>
    %lt3A = arith.constant 4 : i32
    %lt3A_1 = arith.cmpi slt, %add3A, %lt3A : i32
    %convert_element_type3A = arith.extui %lt3A_1 : i1 to i32
    %cond3A = arith.constant 0 : i32
    %cond3A_2 = arith.cmpi ne, %convert_element_type3A, %cond3A : i32
    scf.if %cond3A_2 {
      "tpu.region"() ({
        %run_scoped3A = tpu.sem_alloc : memref<!tpu.dma_semaphore, #tpu.memory_space<semaphore_mem>>
        %dma_start3A = arith.constant 0 : i32
        %dma_start3A_73 = tpu.memref_slice %arg2[%add3A, %dma_start3A] : memref<4x16384xf32, #tpu.memory_space<hbm>> -> memref<1x16384xf32, #tpu.memory_space<hbm>>
        %dma_start3A_74 = tpu.memref_squeeze %dma_start3A_73 : memref<1x16384xf32, #tpu.memory_space<hbm>> -> memref<16384xf32, #tpu.memory_space<hbm>>
        %dma_start3A_75 = arith.constant 0 : i32
        %dma_start3A_76 = tpu.memref_slice %arg2[%add3A, %dma_start3A_75] : memref<4x16384xf32, #tpu.memory_space<hbm>> -> memref<1x16384xf32, #tpu.memory_space<hbm>>
        %dma_start3A_77 = tpu.memref_squeeze %dma_start3A_76 : memref<1x16384xf32, #tpu.memory_space<hbm>> -> memref<16384xf32, #tpu.memory_space<hbm>>
        tpu.enqueue_dma source(%dma_start3A_77 : memref<16384xf32, #tpu.memory_space<hbm>>) target(%arg4 : memref<16384xf32, #tpu.memory_space<vmem>>) target_semaphore(%run_scoped3A : memref<!tpu.dma_semaphore, #tpu.memory_space<semaphore_mem>>)
        %dma_wait3A = arith.constant 0 : i32
        %dma_wait3A_78 = tpu.memref_slice %arg2[%add3A, %dma_wait3A] : memref<4x16384xf32, #tpu.memory_space<hbm>> -> memref<1x16384xf32, #tpu.memory_space<hbm>>
        %dma_wait3A_79 = tpu.memref_squeeze %dma_wait3A_78 : memref<1x16384xf32, #tpu.memory_space<hbm>> -> memref<16384xf32, #tpu.memory_space<hbm>>
        %dma_wait3A_80 = arith.constant 0 : i32
        %dma_wait3A_81 = tpu.memref_slice %arg2[%add3A, %dma_wait3A_80] : memref<4x16384xf32, #tpu.memory_space<hbm>> -> memref<1x16384xf32, #tpu.memory_space<hbm>>
        %dma_wait3A_82 = tpu.memref_squeeze %dma_wait3A_81 : memref<1x16384xf32, #tpu.memory_space<hbm>> -> memref<16384xf32, #tpu.memory_space<hbm>>
        tpu.wait_dma2 semaphore(%run_scoped3A : memref<!tpu.dma_semaphore, #tpu.memory_space<semaphore_mem>>) src(%dma_wait3A_82 : memref<16384xf32, #tpu.memory_space<hbm>>) dst(%arg4 : memref<16384xf32, #tpu.memory_space<vmem>>)
        tpu.yield
      }) : () -> ()
      %broadcast_in_dim3A = arith.constant 0 : i32
      %broadcast_in_dim3A_3 = vector.broadcast %broadcast_in_dim3A : i32 to vector<16xi32>
      %broadcast_in_dim3A_4 = arith.constant 1 : i32
      %broadcast_in_dim3A_5 = vector.broadcast %broadcast_in_dim3A_4 : i32 to vector<16xi32>
      %scan3A = arith.constant 0 : i32
      %scan3A_6 = arith.constant 0 : i32
      %scan3A_7 = arith.constant 128 : i32
      %scan3A_8 = arith.addi %scan3A_6, %scan3A_7 : i32
      %scan3A_9 = arith.constant 1 : i32
      scf.for %scan3A_73 = %scan3A_6 to %scan3A_8 step %scan3A_9  : i32 {
        %mul3A_74 = arith.constant 16 : i32
        %mul3A_75 = arith.muli %scan3A_73, %mul3A_74 : i32
        %swap3A = arith.index_cast %mul3A_75 : i32 to index
        %swap3A_76 = tpu.vector_load %arg5[%swap3A] {strides = array<i32>} : memref<2048xi32, #tpu.memory_space<vmem>>, vector<16xi32>,
        tpu.vector_store %arg5[%swap3A], %broadcast_in_dim3A_3 {strides = array<i32>} : memref<2048xi32, #tpu.memory_space<vmem>>, vector<16xi32>,
      }
      %scan3A_10 = arith.constant 128 : i32
      %scan3A_11 = arith.constant 0 : i32
      %scan3A_12 = arith.constant 0 : i32
      %scan3A_13 = arith.constant 1024 : i32
      %scan3A_14 = arith.addi %scan3A_12, %scan3A_13 : i32
      %scan3A_15 = arith.constant 1 : i32
      scf.for %scan3A_73 = %scan3A_12 to %scan3A_14 step %scan3A_15  : i32 {
        %mul3A_74 = arith.constant 16 : i32
        %mul3A_75 = arith.muli %scan3A_73, %mul3A_74 : i32
        %get3A = arith.index_cast %mul3A_75 : i32 to index
        %get3A_76 = tpu.vector_load %arg4[%get3A] {strides = array<i32>} : memref<16384xf32, #tpu.memory_space<vmem>>, vector<16xf32>,
        %bitcast3A = vector.bitcast %get3A_76 : vector<16xf32> to vector<16xi32>
        %shift_right_arithmetic3A = arith.constant 19 : i32
        %shift_right_arithmetic3A_77 = vector.broadcast %shift_right_arithmetic3A : i32 to vector<16xi32>
        %shift_right_arithmetic3A_78 = arith.shrsi %bitcast3A, %shift_right_arithmetic3A_77 : vector<16xi32>
        tpu.vector_store_idx %arg5[%shift_right_arithmetic3A_78], %broadcast_in_dim3A_5 {add = true} : memref<2048xi32, #tpu.memory_space<vmem>>[vector<16xi32>], vector<16xi32>,
      }
      %scan3A_16 = arith.constant 1024 : i32
      %scan3A_17 = arith.constant 0 : i32
      %scan3A_18 = arith.constant 0 : i32
      %scan3A_19 = arith.constant 0 : i32
      %scan3A_20 = arith.constant 0 : i32
      %scan3A_21 = arith.constant 0 : i32
      %scan3A_22 = arith.constant 128 : i32
      %scan3A_23 = arith.addi %scan3A_21, %scan3A_22 : i32
      %scan3A_24 = arith.constant 1 : i32
      %scan3A_25:4 = scf.for %scan3A_73 = %scan3A_21 to %scan3A_23 step %scan3A_24 iter_args(%scan3A_74 = %scan3A_17, %scan3A_75 = %scan3A_18, %scan3A_76 = %scan3A_19, %scan3A_77 = %scan3A_20) -> (i32, i32, i32, i32)  : i32 {
        %sub3A_78 = arith.constant 127 : i32
        %sub3A_79 = arith.subi %sub3A_78, %scan3A_73 : i32
        %mul3A_80 = arith.constant 16 : i32
        %mul3A_81 = arith.muli %sub3A_79, %mul3A_80 : i32
        %get3A = arith.index_cast %mul3A_81 : i32 to index
        %get3A_82 = tpu.vector_load %arg5[%get3A] {strides = array<i32>} : memref<2048xi32, #tpu.memory_space<vmem>>, vector<16xi32>,
        %rev3A = arith.constant 15 : i32
        %rev3A_83 = vector.broadcast %rev3A : i32 to vector<16xi32>
        %rev3A_84 = tpu.iota {dimensions = array<i32: 0>} : vector<16xi32>
        %rev3A_85 = arith.subi %rev3A_83, %rev3A_84 : vector<16xi32>
        %rev3A_86 = tpu.dynamic_gather %get3A_82[%rev3A_85] in [0] : vector<16xi32>, vector<16xi32> -> vector<16xi32>
        %broadcast_in_dim3A_87 = arith.constant true
        %broadcast_in_dim3A_88 = vector.broadcast %broadcast_in_dim3A_87 : i1 to vector<16xi1>
        %masked_cumsum3A = tpu.scan <sum>, %rev3A_86 masked %broadcast_in_dim3A_88 : vector<16xi32>, vector<16xi1> -> vector<16xi32>
        %add3A_89 = vector.broadcast %scan3A_74 : i32 to vector<16xi32>
        %add3A_90 = arith.addi %masked_cumsum3A, %add3A_89 : vector<16xi32>
        %ge3A = arith.constant 512 : i32
        %ge3A_91 = vector.broadcast %ge3A : i32 to vector<16xi32>
        %ge3A_92 = arith.cmpi sge, %add3A_90, %ge3A_91 : vector<16xi32>
        %all_reduce_population_count3A = tpu.all_reduce %ge3A_92 {dim = 0 : i64, kind = #tpu.reduction_kind<sum>} : vector<16xi1> -> vector<16xi32>
        %all_reduce_ffs3A = tpu.all_reduce %ge3A_92 {dim = 0 : i64, kind = #tpu.reduction_kind<find_first_set>} : vector<16xi1> -> vector<16xi32>
        %eq3A = arith.constant 0 : i32
        %eq3A_93 = arith.cmpi eq, %scan3A_77, %eq3A : i32
        %reduce_max3A = arith.constant true
        %reduce_max3A_94 = vector.broadcast %reduce_max3A : i1 to vector<16xi1>
        %reduce_max3A_95 = arith.constant -2147483648 : i32
        %reduce_max3A_96 = vector.broadcast %reduce_max3A_95 : i32 to vector<16xi32>
        %reduce_max3A_97 = arith.xori %all_reduce_population_count3A, %reduce_max3A_96 : vector<16xi32>
        %reduce_max3A_98 = tpu.scan <max>, %reduce_max3A_97 masked %reduce_max3A_94 : vector<16xi32>, vector<16xi1> -> vector<16xi32>
        %reduce_max3A_99 = arith.xori %reduce_max3A_98, %reduce_max3A_96 : vector<16xi32>
        %reduce_max3A_100 = vector.extract %reduce_max3A_99[15] : i32 from vector<16xi32>
        %gt3A = arith.constant 0 : i32
        %gt3A_101 = arith.cmpi sgt, %reduce_max3A_100, %gt3A : i32
        %and3A_102 = arith.andi %eq3A_93, %gt3A_101 : i1
        %eq3A_103 = arith.cmpi eq, %iota3A, %all_reduce_ffs3A : vector<16xi32>
        %convert_element_type3A_104 = arith.extui %eq3A_103 : vector<16xi1> to vector<16xi32>
        %mul3A_105 = arith.constant 16 : i32
        %mul3A_106 = arith.muli %sub3A_79, %mul3A_105 : i32
        %add3A_107 = arith.constant 15 : i32
        %add3A_108 = arith.addi %mul3A_106, %add3A_107 : i32
        %reduce_max3A_109 = arith.constant true
        %reduce_max3A_110 = vector.broadcast %reduce_max3A_109 : i1 to vector<16xi1>
        %reduce_max3A_111 = arith.constant -2147483648 : i32
        %reduce_max3A_112 = vector.broadcast %reduce_max3A_111 : i32 to vector<16xi32>
        %reduce_max3A_113 = arith.xori %all_reduce_ffs3A, %reduce_max3A_112 : vector<16xi32>
        %reduce_max3A_114 = tpu.scan <max>, %reduce_max3A_113 masked %reduce_max3A_110 : vector<16xi32>, vector<16xi1> -> vector<16xi32>
        %reduce_max3A_115 = arith.xori %reduce_max3A_114, %reduce_max3A_112 : vector<16xi32>
        %reduce_max3A_116 = vector.extract %reduce_max3A_115[15] : i32 from vector<16xi32>
        %sub3A_117 = arith.subi %add3A_108, %reduce_max3A_116 : i32
        %sub3A_118 = arith.subi %add3A_90, %rev3A_86 : vector<16xi32>
        %mul3A_119 = arith.muli %convert_element_type3A_104, %sub3A_118 : vector<16xi32>
        %reduce_max3A_120 = arith.constant true
        %reduce_max3A_121 = vector.broadcast %reduce_max3A_120 : i1 to vector<16xi1>
        %reduce_max3A_122 = arith.constant -2147483648 : i32
        %reduce_max3A_123 = vector.broadcast %reduce_max3A_122 : i32 to vector<16xi32>
        %reduce_max3A_124 = arith.xori %mul3A_119, %reduce_max3A_123 : vector<16xi32>
        %reduce_max3A_125 = tpu.scan <max>, %reduce_max3A_124 masked %reduce_max3A_121 : vector<16xi32>, vector<16xi1> -> vector<16xi32>
        %reduce_max3A_126 = arith.xori %reduce_max3A_125, %reduce_max3A_123 : vector<16xi32>
        %reduce_max3A_127 = vector.extract %reduce_max3A_126[15] : i32 from vector<16xi32>
        %reduce_sum3A = arith.constant true
        %reduce_sum3A_128 = vector.broadcast %reduce_sum3A : i1 to vector<16xi1>
        %reduce_sum3A_129 = tpu.scan <sum>, %get3A_82 masked %reduce_sum3A_128 : vector<16xi32>, vector<16xi1> -> vector<16xi32>
        %reduce_sum3A_130 = vector.extract %reduce_sum3A_129[15] : i32 from vector<16xi32>
        %add3A_131 = arith.addi %scan3A_74, %reduce_sum3A_130 : i32
        %select_n3A_132 = arith.select %and3A_102, %sub3A_117, %scan3A_75 : i32
        %select_n3A_133 = arith.select %and3A_102, %reduce_max3A_127, %scan3A_76 : i32
        %jit3A_134 = arith.constant 1 : i32
        %select_n3A_135 = arith.select %and3A_102, %jit3A_134, %scan3A_77 : i32
        scf.yield %add3A_131, %select_n3A_132, %select_n3A_133, %select_n3A_135 : i32, i32, i32, i32
      }
      %scan3A_26 = arith.constant 128 : i32
      %sub3A = arith.constant 512 : i32
      %sub3A_27 = arith.subi %sub3A, %scan3A_25#2 : i32
      %scan3A_28 = arith.constant 0 : i32
      %scan3A_29 = arith.constant 0 : i32
      %scan3A_30 = arith.constant 1024 : i32
      %scan3A_31 = arith.addi %scan3A_29, %scan3A_30 : i32
      %scan3A_32 = arith.constant 1 : i32
      %scan3A_33 = scf.for %scan3A_73 = %scan3A_29 to %scan3A_31 step %scan3A_32 iter_args(%scan3A_74 = %scan3A_28) -> (i32)  : i32 {
        %mul3A_75 = arith.constant 16 : i32
        %mul3A_76 = arith.muli %scan3A_73, %mul3A_75 : i32
        %get3A = arith.index_cast %mul3A_76 : i32 to index
        %get3A_77 = tpu.vector_load %arg4[%get3A] {strides = array<i32>} : memref<16384xf32, #tpu.memory_space<vmem>>, vector<16xf32>,
        %bitcast3A = vector.bitcast %get3A_77 : vector<16xf32> to vector<16xi32>
        %shift_right_arithmetic3A = arith.constant 19 : i32
        %shift_right_arithmetic3A_78 = vector.broadcast %shift_right_arithmetic3A : i32 to vector<16xi32>
        %shift_right_arithmetic3A_79 = arith.shrsi %bitcast3A, %shift_right_arithmetic3A_78 : vector<16xi32>
        %eq3A = vector.broadcast %scan3A_25#1 : i32 to vector<16xi32>
        %eq3A_80 = arith.cmpi eq, %shift_right_arithmetic3A_79, %eq3A : vector<16xi32>
        %swap3A = arith.index_cast %scan3A_74 : i32 to index
        %swap3A_81 = tpu.vector_load %arg6[%swap3A] masked %eq3A_80 {strides = array<i32>} : memref<16400xf32, #tpu.memory_space<vmem>>, vector<16xf32>, vector<16xi1>
        tpu.vector_store %arg6[%swap3A], %get3A_77 masked %eq3A_80 {strides = array<i32>} : memref<16400xf32, #tpu.memory_space<vmem>>, vector<16xf32>, vector<16xi1>
        %all_reduce_population_count3A = tpu.all_reduce %eq3A_80 {dim = 0 : i64, kind = #tpu.reduction_kind<sum>} : vector<16xi1> -> vector<16xi32>
        %reduce_max3A = arith.constant true
        %reduce_max3A_82 = vector.broadcast %reduce_max3A : i1 to vector<16xi1>
        %reduce_max3A_83 = arith.constant -2147483648 : i32
        %reduce_max3A_84 = vector.broadcast %reduce_max3A_83 : i32 to vector<16xi32>
        %reduce_max3A_85 = arith.xori %all_reduce_population_count3A, %reduce_max3A_84 : vector<16xi32>
        %reduce_max3A_86 = tpu.scan <max>, %reduce_max3A_85 masked %reduce_max3A_82 : vector<16xi32>, vector<16xi1> -> vector<16xi32>
        %reduce_max3A_87 = arith.xori %reduce_max3A_86, %reduce_max3A_84 : vector<16xi32>
        %reduce_max3A_88 = vector.extract %reduce_max3A_87[15] : i32 from vector<16xi32>
        %add3A_89 = arith.addi %scan3A_74, %reduce_max3A_88 : i32
        scf.yield %add3A_89 : i32
      }
      %scan3A_34 = arith.constant 1024 : i32
      %add3A_35 = arith.constant 15 : i32
      %add3A_36 = arith.addi %scan3A_33, %add3A_35 : i32
      %jit3A = arith.constant 16 : i32
      %div3A = arith.divsi %add3A_36, %jit3A : i32
      %sign3A = arith.constant 0 : i32
      %sign3A_37 = arith.cmpi sgt, %add3A_36, %sign3A : i32
      %sign3A_38 = arith.extui %sign3A_37 : i1 to i32
      %sign3A_39 = arith.constant 0 : i32
      %sign3A_40 = arith.cmpi slt, %add3A_36, %sign3A_39 : i32
      %sign3A_41 = arith.extui %sign3A_40 : i1 to i32
      %sign3A_42 = arith.subi %sign3A_38, %sign3A_41 : i32
      %sign3A_43 = arith.constant 0 : i32
      %sign3A_44 = arith.cmpi sgt, %jit3A, %sign3A_43 : i32
      %sign3A_45 = arith.extui %sign3A_44 : i1 to i32
      %sign3A_46 = arith.constant 0 : i32
      %sign3A_47 = arith.cmpi slt, %jit3A, %sign3A_46 : i32
      %sign3A_48 = arith.extui %sign3A_47 : i1 to i32
      %sign3A_49 = arith.subi %sign3A_45, %sign3A_48 : i32
      %ne3A = arith.cmpi ne, %sign3A_42, %sign3A_49 : i32
      %rem3A = arith.remsi %add3A_36, %jit3A : i32
      %ne3A_50 = arith.constant 0 : i32
      %ne3A_51 = arith.cmpi ne, %rem3A, %ne3A_50 : i32
      %and3A = arith.andi %ne3A, %ne3A_51 : i1
      %sub3A_52 = arith.constant 1 : i32
      %sub3A_53 = arith.subi %div3A, %sub3A_52 : i32
      %select_n3A = arith.select %and3A, %sub3A_53, %div3A : i32
      %shift_left3A = arith.constant 19 : i32
      %shift_left3A_54 = arith.shli %scan3A_25#1, %shift_left3A : i32
      %add3A_55 = arith.constant 1 : i32
      %add3A_56 = arith.addi %scan3A_25#1, %add3A_55 : i32
      %shift_left3A_57 = arith.constant 19 : i32
      %shift_left3A_58 = arith.shli %add3A_56, %shift_left3A_57 : i32
      %while3A:2 = scf.while (%while3A_73 = %shift_left3A_54, %while3A_74 = %shift_left3A_58) : (i32, i32) -> (i32, i32) {
        %sub3A_75 = arith.subi %while3A_74, %while3A_73 : i32
        %gt3A = arith.constant 1 : i32
        %gt3A_76 = arith.cmpi sgt, %sub3A_75, %gt3A : i32
        scf.condition(%gt3A_76) %while3A_73, %while3A_74 : i32, i32
      } do {
      ^bb0(%while3A_73: i32, %while3A_74: i32):
        %add3A_75 = arith.addi %while3A_73, %while3A_74 : i32
        %shift_right_arithmetic3A = arith.constant 1 : i32
        %shift_right_arithmetic3A_76 = arith.shrsi %add3A_75, %shift_right_arithmetic3A : i32
        %while3A_77 = arith.constant 0 : i32
        %while3A_78 = arith.constant 0 : i32
        %while3A_79 = arith.subi %select_n3A, %while3A_77 : i32
        %while3A_80 = arith.addi %while3A_77, %while3A_79 : i32
        %while3A_81 = arith.constant 1 : i32
        %while3A_82 = arith.divsi %while3A_79, %while3A_81 : i32
        %while3A_83 = arith.muli %while3A_82, %while3A_81 : i32
        %while3A_84 = arith.addi %while3A_77, %while3A_83 : i32
        %while3A_85 = arith.constant 1 : i32
        %while3A_86 = scf.for %while3A_92 = %while3A_77 to %while3A_84 step %while3A_85 iter_args(%while3A_93 = %while3A_78) -> (i32)  : i32 {
          %mul3A_94 = arith.constant 16 : i32
          %mul3A_95 = arith.muli %while3A_92, %mul3A_94 : i32
          %get3A = arith.index_cast %mul3A_95 : i32 to index
          %get3A_96 = tpu.vector_load %arg6[%get3A] {strides = array<i32>} : memref<16400xf32, #tpu.memory_space<vmem>>, vector<16xf32>,
          %bitcast3A = vector.bitcast %get3A_96 : vector<16xf32> to vector<16xi32>
          %mul3A_97 = arith.constant 16 : i32
          %mul3A_98 = arith.muli %while3A_92, %mul3A_97 : i32
          %add3A_99 = vector.broadcast %mul3A_98 : i32 to vector<16xi32>
          %add3A_100 = arith.addi %add3A_99, %iota3A : vector<16xi32>
          %lt3A_101 = vector.broadcast %scan3A_33 : i32 to vector<16xi32>
          %lt3A_102 = arith.cmpi slt, %add3A_100, %lt3A_101 : vector<16xi32>
          %ge3A_103 = vector.broadcast %shift_right_arithmetic3A_76 : i32 to vector<16xi32>
          %ge3A_104 = arith.cmpi sge, %bitcast3A, %ge3A_103 : vector<16xi32>
          %and3A_105 = arith.andi %ge3A_104, %lt3A_102 : vector<16xi1>
          %all_reduce_population_count3A = tpu.all_reduce %and3A_105 {dim = 0 : i64, kind = #tpu.reduction_kind<sum>} : vector<16xi1> -> vector<16xi32>
          %reduce_max3A = arith.constant true
          %reduce_max3A_106 = vector.broadcast %reduce_max3A : i1 to vector<16xi1>
          %reduce_max3A_107 = arith.constant -2147483648 : i32
          %reduce_max3A_108 = vector.broadcast %reduce_max3A_107 : i32 to vector<16xi32>
          %reduce_max3A_109 = arith.xori %all_reduce_population_count3A, %reduce_max3A_108 : vector<16xi32>
          %reduce_max3A_110 = tpu.scan <max>, %reduce_max3A_109 masked %reduce_max3A_106 : vector<16xi32>, vector<16xi1> -> vector<16xi32>
          %reduce_max3A_111 = arith.xori %reduce_max3A_110, %reduce_max3A_108 : vector<16xi32>
          %reduce_max3A_112 = vector.extract %reduce_max3A_111[15] : i32 from vector<16xi32>
          %add3A_113 = arith.addi %while3A_93, %reduce_max3A_112 : i32
          scf.yield %add3A_113 : i32
        }
        %while3A_87 = arith.constant 1 : i32
        %while3A_88 = scf.for %while3A_92 = %while3A_84 to %while3A_80 step %while3A_87 iter_args(%while3A_93 = %while3A_86) -> (i32)  : i32 {
          %mul3A_94 = arith.constant 16 : i32
          %mul3A_95 = arith.muli %while3A_92, %mul3A_94 : i32
          %get3A = arith.index_cast %mul3A_95 : i32 to index
          %get3A_96 = tpu.vector_load %arg6[%get3A] {strides = array<i32>} : memref<16400xf32, #tpu.memory_space<vmem>>, vector<16xf32>,
          %bitcast3A = vector.bitcast %get3A_96 : vector<16xf32> to vector<16xi32>
          %mul3A_97 = arith.constant 16 : i32
          %mul3A_98 = arith.muli %while3A_92, %mul3A_97 : i32
          %add3A_99 = vector.broadcast %mul3A_98 : i32 to vector<16xi32>
          %add3A_100 = arith.addi %add3A_99, %iota3A : vector<16xi32>
          %lt3A_101 = vector.broadcast %scan3A_33 : i32 to vector<16xi32>
          %lt3A_102 = arith.cmpi slt, %add3A_100, %lt3A_101 : vector<16xi32>
          %ge3A_103 = vector.broadcast %shift_right_arithmetic3A_76 : i32 to vector<16xi32>
          %ge3A_104 = arith.cmpi sge, %bitcast3A, %ge3A_103 : vector<16xi32>
          %and3A_105 = arith.andi %ge3A_104, %lt3A_102 : vector<16xi1>
          %all_reduce_population_count3A = tpu.all_reduce %and3A_105 {dim = 0 : i64, kind = #tpu.reduction_kind<sum>} : vector<16xi1> -> vector<16xi32>
          %reduce_max3A = arith.constant true
          %reduce_max3A_106 = vector.broadcast %reduce_max3A : i1 to vector<16xi1>
          %reduce_max3A_107 = arith.constant -2147483648 : i32
          %reduce_max3A_108 = vector.broadcast %reduce_max3A_107 : i32 to vector<16xi32>
          %reduce_max3A_109 = arith.xori %all_reduce_population_count3A, %reduce_max3A_108 : vector<16xi32>
          %reduce_max3A_110 = tpu.scan <max>, %reduce_max3A_109 masked %reduce_max3A_106 : vector<16xi32>, vector<16xi1> -> vector<16xi32>
          %reduce_max3A_111 = arith.xori %reduce_max3A_110, %reduce_max3A_108 : vector<16xi32>
          %reduce_max3A_112 = vector.extract %reduce_max3A_111[15] : i32 from vector<16xi32>
          %add3A_113 = arith.addi %while3A_93, %reduce_max3A_112 : i32
          scf.yield %add3A_113 : i32
        }
        %ge3A = arith.cmpi sge, %while3A_88, %sub3A_27 : i32
        %select_n3A_89 = arith.select %ge3A, %shift_right_arithmetic3A_76, %while3A_73 : i32
        %ge3A_90 = arith.cmpi sge, %while3A_88, %sub3A_27 : i32
        %select_n3A_91 = arith.select %ge3A_90, %while3A_74, %shift_right_arithmetic3A_76 : i32
        scf.yield %select_n3A_89, %select_n3A_91 : i32, i32
      }
      %scan3A_59 = arith.constant 0 : i32
      %scan3A_60 = arith.constant 0 : i32
      %scan3A_61 = arith.constant 1024 : i32
      %scan3A_62 = arith.addi %scan3A_60, %scan3A_61 : i32
      %scan3A_63 = arith.constant 1 : i32
      %scan3A_64 = scf.for %scan3A_73 = %scan3A_60 to %scan3A_62 step %scan3A_63 iter_args(%scan3A_74 = %scan3A_59) -> (i32)  : i32 {
        %mul3A_75 = arith.constant 16 : i32
        %mul3A_76 = arith.muli %scan3A_73, %mul3A_75 : i32
        %get3A = arith.index_cast %mul3A_76 : i32 to index
        %get3A_77 = tpu.vector_load %arg4[%get3A] {strides = array<i32>} : memref<16384xf32, #tpu.memory_space<vmem>>, vector<16xf32>,
        %bitcast3A = vector.bitcast %get3A_77 : vector<16xf32> to vector<16xi32>
        %gt3A = vector.broadcast %while3A#0 : i32 to vector<16xi32>
        %gt3A_78 = arith.cmpi sgt, %bitcast3A, %gt3A : vector<16xi32>
        %mul3A_79 = arith.constant 16 : i32
        %mul3A_80 = arith.muli %scan3A_73, %mul3A_79 : i32
        %add3A_81 = vector.broadcast %mul3A_80 : i32 to vector<16xi32>
        %add3A_82 = arith.addi %add3A_81, %iota3A : vector<16xi32>
        %swap3A = arith.index_cast %scan3A_74 : i32 to index
        %swap3A_83 = tpu.vector_load %arg7[%swap3A] masked %gt3A_78 {strides = array<i32>} : memref<528xi32, #tpu.memory_space<vmem>>, vector<16xi32>, vector<16xi1>
        tpu.vector_store %arg7[%swap3A], %add3A_82 masked %gt3A_78 {strides = array<i32>} : memref<528xi32, #tpu.memory_space<vmem>>, vector<16xi32>, vector<16xi1>
        %all_reduce_population_count3A = tpu.all_reduce %gt3A_78 {dim = 0 : i64, kind = #tpu.reduction_kind<sum>} : vector<16xi1> -> vector<16xi32>
        %reduce_max3A = arith.constant true
        %reduce_max3A_84 = vector.broadcast %reduce_max3A : i1 to vector<16xi1>
        %reduce_max3A_85 = arith.constant -2147483648 : i32
        %reduce_max3A_86 = vector.broadcast %reduce_max3A_85 : i32 to vector<16xi32>
        %reduce_max3A_87 = arith.xori %all_reduce_population_count3A, %reduce_max3A_86 : vector<16xi32>
        %reduce_max3A_88 = tpu.scan <max>, %reduce_max3A_87 masked %reduce_max3A_84 : vector<16xi32>, vector<16xi1> -> vector<16xi32>
        %reduce_max3A_89 = arith.xori %reduce_max3A_88, %reduce_max3A_86 : vector<16xi32>
        %reduce_max3A_90 = vector.extract %reduce_max3A_89[15] : i32 from vector<16xi32>
        %add3A_91 = arith.addi %scan3A_74, %reduce_max3A_90 : i32
        scf.yield %add3A_91 : i32
      }
      %scan3A_65 = arith.constant 1024 : i32
      %scan3A_66 = arith.constant 0 : i32
      %scan3A_67 = arith.constant 0 : i32
      %scan3A_68 = arith.constant 1024 : i32
      %scan3A_69 = arith.addi %scan3A_67, %scan3A_68 : i32
      %scan3A_70 = arith.constant 1 : i32
      %scan3A_71:2 = scf.for %scan3A_73 = %scan3A_67 to %scan3A_69 step %scan3A_70 iter_args(%scan3A_74 = %scan3A_64, %scan3A_75 = %scan3A_66) -> (i32, i32)  : i32 {
        %mul3A_76 = arith.constant 16 : i32
        %mul3A_77 = arith.muli %scan3A_73, %mul3A_76 : i32
        %get3A = arith.index_cast %mul3A_77 : i32 to index
        %get3A_78 = tpu.vector_load %arg4[%get3A] {strides = array<i32>} : memref<16384xf32, #tpu.memory_space<vmem>>, vector<16xf32>,
        %bitcast3A = vector.bitcast %get3A_78 : vector<16xf32> to vector<16xi32>
        %eq3A = vector.broadcast %while3A#0 : i32 to vector<16xi32>
        %eq3A_79 = arith.cmpi eq, %bitcast3A, %eq3A : vector<16xi32>
        %convert_element_type3A_80 = arith.extui %eq3A_79 : vector<16xi1> to vector<16xi32>
        %broadcast_in_dim3A_81 = arith.constant true
        %broadcast_in_dim3A_82 = vector.broadcast %broadcast_in_dim3A_81 : i1 to vector<16xi1>
        %masked_cumsum3A = tpu.scan <sum>, %convert_element_type3A_80 masked %broadcast_in_dim3A_82 : vector<16xi32>, vector<16xi1> -> vector<16xi32>
        %add3A_83 = vector.broadcast %scan3A_75 : i32 to vector<16xi32>
        %add3A_84 = arith.addi %add3A_83, %masked_cumsum3A : vector<16xi32>
        %sub3A_85 = arith.constant 512 : i32
        %sub3A_86 = arith.subi %sub3A_85, %scan3A_64 : i32
        %le3A = vector.broadcast %sub3A_86 : i32 to vector<16xi32>
        %le3A_87 = arith.cmpi sle, %add3A_84, %le3A : vector<16xi32>
        %and3A_88 = arith.andi %eq3A_79, %le3A_87 : vector<16xi1>
        %mul3A_89 = arith.constant 16 : i32
        %mul3A_90 = arith.muli %scan3A_73, %mul3A_89 : i32
        %add3A_91 = vector.broadcast %mul3A_90 : i32 to vector<16xi32>
        %add3A_92 = arith.addi %add3A_91, %iota3A : vector<16xi32>
        %swap3A = arith.index_cast %scan3A_74 : i32 to index
        %swap3A_93 = tpu.vector_load %arg7[%swap3A] masked %and3A_88 {strides = array<i32>} : memref<528xi32, #tpu.memory_space<vmem>>, vector<16xi32>, vector<16xi1>
        tpu.vector_store %arg7[%swap3A], %add3A_92 masked %and3A_88 {strides = array<i32>} : memref<528xi32, #tpu.memory_space<vmem>>, vector<16xi32>, vector<16xi1>
        %all_reduce_population_count3A = tpu.all_reduce %and3A_88 {dim = 0 : i64, kind = #tpu.reduction_kind<sum>} : vector<16xi1> -> vector<16xi32>
        %reduce_max3A = arith.constant true
        %reduce_max3A_94 = vector.broadcast %reduce_max3A : i1 to vector<16xi1>
        %reduce_max3A_95 = arith.constant -2147483648 : i32
        %reduce_max3A_96 = vector.broadcast %reduce_max3A_95 : i32 to vector<16xi32>
        %reduce_max3A_97 = arith.xori %all_reduce_population_count3A, %reduce_max3A_96 : vector<16xi32>
        %reduce_max3A_98 = tpu.scan <max>, %reduce_max3A_97 masked %reduce_max3A_94 : vector<16xi32>, vector<16xi1> -> vector<16xi32>
        %reduce_max3A_99 = arith.xori %reduce_max3A_98, %reduce_max3A_96 : vector<16xi32>
        %reduce_max3A_100 = vector.extract %reduce_max3A_99[15] : i32 from vector<16xi32>
        %add3A_101 = arith.addi %scan3A_74, %reduce_max3A_100 : i32
        %add3A_102 = arith.addi %scan3A_75, %reduce_max3A_100 : i32
        scf.yield %add3A_101, %add3A_102 : i32, i32
      }
      %scan3A_72 = arith.constant 1024 : i32
      "tpu.region"() ({
        %run_scoped3A = tpu.sem_alloc : memref<!tpu.dma_semaphore, #tpu.memory_space<semaphore_mem>>
        %dma_start3A = arith.constant 0 : i32
        %dma_start3A_73 = tpu.memref_slice %arg7[%dma_start3A] : memref<528xi32, #tpu.memory_space<vmem>> -> memref<512xi32, #tpu.memory_space<vmem>>
        %dma_start3A_74 = arith.constant 0 : i32
        %dma_start3A_75 = tpu.memref_slice %arg3[%add3A, %dma_start3A_74] : memref<4x512xi32, #tpu.memory_space<hbm>> -> memref<1x512xi32, #tpu.memory_space<hbm>>
        %dma_start3A_76 = tpu.memref_squeeze %dma_start3A_75 : memref<1x512xi32, #tpu.memory_space<hbm>> -> memref<512xi32, #tpu.memory_space<hbm>>
        %dma_start3A_77 = arith.constant 0 : i32
        %dma_start3A_78 = tpu.memref_slice %arg3[%add3A, %dma_start3A_77] : memref<4x512xi32, #tpu.memory_space<hbm>> -> memref<1x512xi32, #tpu.memory_space<hbm>>
        %dma_start3A_79 = tpu.memref_squeeze %dma_start3A_78 : memref<1x512xi32, #tpu.memory_space<hbm>> -> memref<512xi32, #tpu.memory_space<hbm>>
        %dma_start3A_80 = arith.constant 0 : i32
        %dma_start3A_81 = tpu.memref_slice %arg7[%dma_start3A_80] : memref<528xi32, #tpu.memory_space<vmem>> -> memref<512xi32, #tpu.memory_space<vmem>>
        tpu.enqueue_dma source(%dma_start3A_81 : memref<512xi32, #tpu.memory_space<vmem>>) target(%dma_start3A_79 : memref<512xi32, #tpu.memory_space<hbm>>) target_semaphore(%run_scoped3A : memref<!tpu.dma_semaphore, #tpu.memory_space<semaphore_mem>>)
        %dma_wait3A = arith.constant 0 : i32
        %dma_wait3A_82 = tpu.memref_slice %arg7[%dma_wait3A] : memref<528xi32, #tpu.memory_space<vmem>> -> memref<512xi32, #tpu.memory_space<vmem>>
        %dma_wait3A_83 = arith.constant 0 : i32
        %dma_wait3A_84 = tpu.memref_slice %arg3[%add3A, %dma_wait3A_83] : memref<4x512xi32, #tpu.memory_space<hbm>> -> memref<1x512xi32, #tpu.memory_space<hbm>>
        %dma_wait3A_85 = tpu.memref_squeeze %dma_wait3A_84 : memref<1x512xi32, #tpu.memory_space<hbm>> -> memref<512xi32, #tpu.memory_space<hbm>>
        %dma_wait3A_86 = arith.constant 0 : i32
        %dma_wait3A_87 = tpu.memref_slice %arg3[%add3A, %dma_wait3A_86] : memref<4x512xi32, #tpu.memory_space<hbm>> -> memref<1x512xi32, #tpu.memory_space<hbm>>
        %dma_wait3A_88 = tpu.memref_squeeze %dma_wait3A_87 : memref<1x512xi32, #tpu.memory_space<hbm>> -> memref<512xi32, #tpu.memory_space<hbm>>
        %dma_wait3A_89 = arith.constant 0 : i32
        %dma_wait3A_90 = tpu.memref_slice %arg7[%dma_wait3A_89] : memref<528xi32, #tpu.memory_space<vmem>> -> memref<512xi32, #tpu.memory_space<vmem>>
        tpu.wait_dma2 semaphore(%run_scoped3A : memref<!tpu.dma_semaphore, #tpu.memory_space<semaphore_mem>>) src(%dma_wait3A_90 : memref<512xi32, #tpu.memory_space<vmem>>) dst(%dma_wait3A_88 : memref<512xi32, #tpu.memory_space<hbm>>)
        tpu.yield
      }) : () -> ()
    } else {
    }
    return
  }
}

module attributes {stable_mosaic.version = 14 : i64} {
  func.func @_match_body(%arg0: i32, %arg1: i32, %arg2: i32, %arg3: memref<1x1x512xi32, #tpu.memory_space<vmem>>, %arg4: memref<1x192x2048xf32, #tpu.memory_space<vmem>>, %arg5: memref<1x192x2048xf32, #tpu.memory_space<vmem>>, %arg6: memref<1x2x512xf32, #tpu.memory_space<vmem>>, %arg7: memref<512x192xf32, #tpu.memory_space<vmem>>, %arg8: memref<512x1xf32, #tpu.memory_space<vmem>>, %arg9: memref<512x1xf32, #tpu.memory_space<vmem>>, %arg10: memref<512x2xf32, #tpu.memory_space<vmem>>) attributes {dimension_semantics = [#tpu.dimension_semantics<arbitrary>, #tpu.dimension_semantics<arbitrary>, #tpu.dimension_semantics<arbitrary>], iteration_bounds = array<i64: 4, 2, 8>, scalar_prefetch = 0 : i64, scratch_operands = 4 : i64, tpu.core_type = #tpu.core_type<tc>, window_params = [{transform_indices = @transform_0, window_bounds = array<i64: 1, 1, 512>}, {transform_indices = @transform_1, window_bounds = array<i64: 1, 192, 2048>}, {transform_indices = @transform_2, window_bounds = array<i64: 1, 192, 2048>}, {transform_indices = @transform_3, window_bounds = array<i64: 1, 2, 512>}]} {
    %eq3A = arith.constant 0 : i32
    %eq3A_0 = arith.cmpi eq, %arg1, %eq3A : i32
    %eq3A_1 = arith.constant 0 : i32
    %eq3A_2 = arith.cmpi eq, %arg2, %eq3A_1 : i32
    %and3A = arith.andi %eq3A_0, %eq3A_2 : i1
    %convert_element_type3A = arith.extui %and3A : i1 to i32
    %cond3A = arith.constant 0 : i32
    %cond3A_3 = arith.cmpi ne, %convert_element_type3A, %cond3A : i32
    scf.if %cond3A_3 {
      %broadcast_in_dim3A = arith.constant 0.000000e+00 : f32
      %broadcast_in_dim3A_30 = vector.broadcast %broadcast_in_dim3A : f32 to vector<512x192xf32>
      %swap3A = arith.constant 0 : index
      %swap3A_31 = arith.constant 0 : index
      %swap3A_32 = vector.load %arg7[%swap3A, %swap3A_31] : memref<512x192xf32, #tpu.memory_space<vmem>>, vector<512x192xf32>
      tpu.vector_store %arg7[%swap3A, %swap3A_31], %broadcast_in_dim3A_30 {strides = array<i32>} : memref<512x192xf32, #tpu.memory_space<vmem>>, vector<512x192xf32>,
    } else {
    }
    %eq3A_4 = arith.constant 0 : i32
    %eq3A_5 = arith.cmpi eq, %arg1, %eq3A_4 : i32
    %convert_element_type3A_6 = arith.extui %eq3A_5 : i1 to i32
    %cond3A_7 = arith.constant 0 : i32
    %cond3A_8 = arith.cmpi ne, %convert_element_type3A_6, %cond3A_7 : i32
    scf.if %cond3A_8 {
      %get3A = arith.constant 0 : index
      %get3A_30 = arith.constant 0 : index
      %get3A_31 = arith.constant 0 : index
      %get3A_32 = vector.load %arg3[%get3A, %get3A_30, %get3A_31] : memref<1x1x512xi32, #tpu.memory_space<vmem>>, vector<1x1x512xi32>
      %get3A_33 = vector.shape_cast %get3A_32 : vector<1x1x512xi32> to vector<512xi32>
      %iota3A = tpu.iota {dimensions = array<i32: 1>} : vector<512x2048xi32>
      %mul3A = arith.constant 2048 : i32
      %mul3A_34 = arith.muli %arg2, %mul3A : i32
      %add3A = vector.broadcast %mul3A_34 : i32 to vector<512x2048xi32>
      %add3A_35 = arith.addi %iota3A, %add3A : vector<512x2048xi32>
      %broadcast_in_dim3A = vector.shape_cast %get3A_33 : vector<512xi32> to vector<512x1xi32>
      %eq3A_36 = vector.broadcast %broadcast_in_dim3A : vector<512x1xi32> to vector<512x2048xi32>
      %eq3A_37 = arith.cmpi eq, %eq3A_36, %add3A_35 : vector<512x2048xi32>
      %convert_element_type3A_38 = arith.extui %eq3A_37 : vector<512x2048xi1> to vector<512x2048xi32>
      %convert_element_type3A_39 = arith.sitofp %convert_element_type3A_38 : vector<512x2048xi32> to vector<512x2048xf32>
      %get3A_40 = arith.constant 0 : index
      %get3A_41 = arith.constant 0 : index
      %get3A_42 = vector.load %arg7[%get3A_40, %get3A_41] : memref<512x192xf32, #tpu.memory_space<vmem>>, vector<512x192xf32>
      %get3A_43 = arith.constant 0 : index
      %get3A_44 = arith.constant 0 : index
      %get3A_45 = arith.constant 0 : index
      %get3A_46 = vector.load %arg4[%get3A_43, %get3A_44, %get3A_45] : memref<1x192x2048xf32, #tpu.memory_space<vmem>>, vector<1x192x2048xf32>
      %get3A_47 = vector.shape_cast %get3A_46 : vector<1x192x2048xf32> to vector<192x2048xf32>
      %dot_general3A = arith.constant dense<0.000000e+00> : vector<512x192xf32>
      %dot_general3A_48 = tpu.matmul %convert_element_type3A_39, %get3A_47, %dot_general3A {dimension_numbers = #tpu.dot_dimension_numbers<[1], [1], [0], [0], [0, 0, 1, 0], [], []>, transpose_lhs_hint = false} : vector<512x2048xf32>, vector<192x2048xf32>, vector<512x192xf32> -> vector<512x192xf32>
      %add3A_49 = arith.addf %get3A_42, %dot_general3A_48 : vector<512x192xf32>
      %swap3A = arith.constant 0 : index
      %swap3A_50 = arith.constant 0 : index
      %swap3A_51 = vector.load %arg7[%swap3A, %swap3A_50] : memref<512x192xf32, #tpu.memory_space<vmem>>, vector<512x192xf32>
      tpu.vector_store %arg7[%swap3A, %swap3A_50], %add3A_49 {strides = array<i32>} : memref<512x192xf32, #tpu.memory_space<vmem>>, vector<512x192xf32>,
    } else {
    }
    %eq3A_9 = arith.constant 1 : i32
    %eq3A_10 = arith.cmpi eq, %arg1, %eq3A_9 : i32
    %eq3A_11 = arith.constant 0 : i32
    %eq3A_12 = arith.cmpi eq, %arg2, %eq3A_11 : i32
    %and3A_13 = arith.andi %eq3A_10, %eq3A_12 : i1
    %convert_element_type3A_14 = arith.extui %and3A_13 : i1 to i32
    %cond3A_15 = arith.constant 0 : i32
    %cond3A_16 = arith.cmpi ne, %convert_element_type3A_14, %cond3A_15 : i32
    scf.if %cond3A_16 {
      %broadcast_in_dim3A = arith.constant 0xFF800000 : f32
      %broadcast_in_dim3A_30 = vector.broadcast %broadcast_in_dim3A : f32 to vector<512x1xf32>
      %swap3A = arith.constant 0 : index
      %swap3A_31 = arith.constant 0 : index
      %swap3A_32 = vector.load %arg8[%swap3A, %swap3A_31] : memref<512x1xf32, #tpu.memory_space<vmem>>, vector<512x1xf32>
      tpu.vector_store %arg8[%swap3A, %swap3A_31], %broadcast_in_dim3A_30 {strides = array<i32>} : memref<512x1xf32, #tpu.memory_space<vmem>>, vector<512x1xf32>,
      %broadcast_in_dim3A_33 = arith.constant 0.000000e+00 : f32
      %broadcast_in_dim3A_34 = vector.broadcast %broadcast_in_dim3A_33 : f32 to vector<512x1xf32>
      %swap3A_35 = arith.constant 0 : index
      %swap3A_36 = arith.constant 0 : index
      %swap3A_37 = vector.load %arg9[%swap3A_35, %swap3A_36] : memref<512x1xf32, #tpu.memory_space<vmem>>, vector<512x1xf32>
      tpu.vector_store %arg9[%swap3A_35, %swap3A_36], %broadcast_in_dim3A_34 {strides = array<i32>} : memref<512x1xf32, #tpu.memory_space<vmem>>, vector<512x1xf32>,
      %broadcast_in_dim3A_38 = arith.constant 0.000000e+00 : f32
      %broadcast_in_dim3A_39 = vector.broadcast %broadcast_in_dim3A_38 : f32 to vector<512x2xf32>
      %swap3A_40 = arith.constant 0 : index
      %swap3A_41 = arith.constant 0 : index
      %swap3A_42 = vector.load %arg10[%swap3A_40, %swap3A_41] : memref<512x2xf32, #tpu.memory_space<vmem>>, vector<512x2xf32>
      tpu.vector_store %arg10[%swap3A_40, %swap3A_41], %broadcast_in_dim3A_39 {strides = array<i32>} : memref<512x2xf32, #tpu.memory_space<vmem>>, vector<512x2xf32>,
    } else {
    }
    %eq3A_17 = arith.constant 1 : i32
    %eq3A_18 = arith.cmpi eq, %arg1, %eq3A_17 : i32
    %convert_element_type3A_19 = arith.extui %eq3A_18 : i1 to i32
    %cond3A_20 = arith.constant 0 : i32
    %cond3A_21 = arith.cmpi ne, %convert_element_type3A_19, %cond3A_20 : i32
    scf.if %cond3A_21 {
      %get3A = arith.constant 0 : index
      %get3A_30 = arith.constant 0 : index
      %get3A_31 = vector.load %arg7[%get3A, %get3A_30] : memref<512x192xf32, #tpu.memory_space<vmem>>, vector<512x192xf32>
      %convert_element_type3A_32 = arith.truncf %get3A_31 : vector<512x192xf32> to vector<512x192xbf16>
      %get3A_33 = arith.constant 0 : index
      %get3A_34 = arith.constant 0 : index
      %get3A_35 = arith.constant 0 : index
      %get3A_36 = vector.load %arg5[%get3A_33, %get3A_34, %get3A_35] : memref<1x192x2048xf32, #tpu.memory_space<vmem>>, vector<1x192x2048xf32>
      %get3A_37 = vector.shape_cast %get3A_36 : vector<1x192x2048xf32> to vector<192x2048xf32>
      %convert_element_type3A_38 = arith.truncf %get3A_37 : vector<192x2048xf32> to vector<192x2048xbf16>
      %dot_general3A = arith.constant dense<0.000000e+00> : vector<512x2048xf32>
      %dot_general3A_39 = tpu.matmul %convert_element_type3A_32, %convert_element_type3A_38, %dot_general3A {dimension_numbers = #tpu.dot_dimension_numbers<[1], [0], [0], [1], [0, 0, 1, 1], [], []>, transpose_lhs_hint = false} : vector<512x192xbf16>, vector<192x2048xbf16>, vector<512x2048xf32> -> vector<512x2048xf32>
      %mul3A = arith.constant 0.0721687824 : f32
      %mul3A_40 = vector.broadcast %mul3A : f32 to vector<512x2048xf32>
      %mul3A_41 = arith.mulf %dot_general3A_39, %mul3A_40 : vector<512x2048xf32>
      %get3A_42 = arith.constant 0 : index
      %get3A_43 = arith.constant 0 : index
      %get3A_44 = vector.load %arg8[%get3A_42, %get3A_43] : memref<512x1xf32, #tpu.memory_space<vmem>>, vector<512x1xf32>
      %reduce_max3A = arith.constant dense<0xFF800000> : vector<512xf32>
      %reduce_max3A_45 = vector.multi_reduction <maximumf>, %mul3A_41, %reduce_max3A [1] : vector<512x2048xf32> to vector<512xf32>
      %broadcast_in_dim3A = vector.shape_cast %reduce_max3A_45 : vector<512xf32> to vector<512x1xf32>
      %max3A = arith.maximumf %get3A_44, %broadcast_in_dim3A : vector<512x1xf32>
      %get3A_46 = arith.constant 0 : index
      %get3A_47 = arith.constant 0 : index
      %get3A_48 = vector.load %arg8[%get3A_46, %get3A_47] : memref<512x1xf32, #tpu.memory_space<vmem>>, vector<512x1xf32>
      %sub3A = arith.subf %get3A_48, %max3A : vector<512x1xf32>
      %exp3A = math.exp %sub3A : vector<512x1xf32>
      %sub3A_49 = vector.broadcast %max3A : vector<512x1xf32> to vector<512x2048xf32>
      %sub3A_50 = arith.subf %mul3A_41, %sub3A_49 : vector<512x2048xf32>
      %exp3A_51 = math.exp %sub3A_50 : vector<512x2048xf32>
      %iota3A = tpu.iota {dimensions = array<i32: 0>} : vector<2048x2xi32>
      %mul3A_52 = arith.constant 2048 : i32
      %mul3A_53 = arith.muli %arg2, %mul3A_52 : i32
      %add3A = vector.broadcast %mul3A_53 : i32 to vector<2048x2xi32>
      %add3A_54 = arith.addi %iota3A, %add3A : vector<2048x2xi32>
      %iota3A_55 = tpu.iota {dimensions = array<i32: 1>} : vector<2048x2xi32>
      %eq3A_56 = arith.constant 0 : i32
      %eq3A_57 = vector.broadcast %eq3A_56 : i32 to vector<2048x2xi32>
      %eq3A_58 = arith.cmpi eq, %iota3A_55, %eq3A_57 : vector<2048x2xi32>
      %jit3A = arith.constant 128 : i32
      %eq3A_59 = arith.constant 0 : i32
      %eq3A_60 = arith.cmpi eq, %jit3A, %eq3A_59 : i32
      %jit3A_61 = arith.constant 1 : i32
      %select_n3A = arith.select %eq3A_60, %jit3A_61, %jit3A : i32
      %rem3A = vector.broadcast %select_n3A : i32 to vector<2048x2xi32>
      %rem3A_62 = arith.remsi %add3A_54, %rem3A : vector<2048x2xi32>
      %ne3A = arith.constant 0 : i32
      %ne3A_63 = vector.broadcast %ne3A : i32 to vector<2048x2xi32>
      %ne3A_64 = arith.cmpi ne, %rem3A_62, %ne3A_63 : vector<2048x2xi32>
      %lt3A = arith.constant 0 : i32
      %lt3A_65 = vector.broadcast %lt3A : i32 to vector<2048x2xi32>
      %lt3A_66 = arith.cmpi slt, %rem3A_62, %lt3A_65 : vector<2048x2xi32>
      %lt3A_67 = arith.constant 0 : i32
      %lt3A_68 = arith.cmpi slt, %select_n3A, %lt3A_67 : i32
      %ne3A_69 = vector.broadcast %lt3A_68 : i1 to vector<2048x2xi1>
      %ne3A_70 = vector.broadcast %ne3A_69 : vector<2048x2xi1> to vector<2048x2xi1>
      %ne3A_71 = arith.xori %lt3A_66, %ne3A_70 : vector<2048x2xi1>
      %and3A_72 = arith.andi %ne3A_71, %ne3A_64 : vector<2048x2xi1>
      %add3A_73 = vector.broadcast %select_n3A : i32 to vector<2048x2xi32>
      %add3A_74 = arith.addi %rem3A_62, %add3A_73 : vector<2048x2xi32>
      %select_n3A_75 = arith.select %and3A_72, %add3A_74, %rem3A_62 : vector<2048x2xi1>, vector<2048x2xi32>
      %jit3A_76 = arith.constant 128 : i32
      %div3A = vector.broadcast %jit3A_76 : i32 to vector<2048x2xi32>
      %div3A_77 = arith.divsi %add3A_54, %div3A : vector<2048x2xi32>
      %sign3A = arith.constant 0 : i32
      %sign3A_78 = vector.broadcast %sign3A : i32 to vector<2048x2xi32>
      %sign3A_79 = arith.cmpi sgt, %add3A_54, %sign3A_78 : vector<2048x2xi32>
      %sign3A_80 = arith.extui %sign3A_79 : vector<2048x2xi1> to vector<2048x2xi32>
      %sign3A_81 = arith.constant 0 : i32
      %sign3A_82 = vector.broadcast %sign3A_81 : i32 to vector<2048x2xi32>
      %sign3A_83 = arith.cmpi slt, %add3A_54, %sign3A_82 : vector<2048x2xi32>
      %sign3A_84 = arith.extui %sign3A_83 : vector<2048x2xi1> to vector<2048x2xi32>
      %sign3A_85 = arith.subi %sign3A_80, %sign3A_84 : vector<2048x2xi32>
      %sign3A_86 = arith.constant 0 : i32
      %sign3A_87 = arith.cmpi sgt, %jit3A_76, %sign3A_86 : i32
      %sign3A_88 = arith.extui %sign3A_87 : i1 to i32
      %sign3A_89 = arith.constant 0 : i32
      %sign3A_90 = arith.cmpi slt, %jit3A_76, %sign3A_89 : i32
      %sign3A_91 = arith.extui %sign3A_90 : i1 to i32
      %sign3A_92 = arith.subi %sign3A_88, %sign3A_91 : i32
      %ne3A_93 = vector.broadcast %sign3A_92 : i32 to vector<2048x2xi32>
      %ne3A_94 = arith.cmpi ne, %sign3A_85, %ne3A_93 : vector<2048x2xi32>
      %rem3A_95 = vector.broadcast %jit3A_76 : i32 to vector<2048x2xi32>
      %rem3A_96 = arith.remsi %add3A_54, %rem3A_95 : vector<2048x2xi32>
      %ne3A_97 = arith.constant 0 : i32
      %ne3A_98 = vector.broadcast %ne3A_97 : i32 to vector<2048x2xi32>
      %ne3A_99 = arith.cmpi ne, %rem3A_96, %ne3A_98 : vector<2048x2xi32>
      %and3A_100 = arith.andi %ne3A_94, %ne3A_99 : vector<2048x2xi1>
      %sub3A_101 = arith.constant 1 : i32
      %sub3A_102 = vector.broadcast %sub3A_101 : i32 to vector<2048x2xi32>
      %sub3A_103 = arith.subi %div3A_77, %sub3A_102 : vector<2048x2xi32>
      %select_n3A_104 = arith.select %and3A_100, %sub3A_103, %div3A_77 : vector<2048x2xi1>, vector<2048x2xi32>
      %select_n3A_105 = arith.select %eq3A_58, %select_n3A_75, %select_n3A_104 : vector<2048x2xi1>, vector<2048x2xi32>
      %convert_element_type3A_106 = arith.sitofp %select_n3A_105 : vector<2048x2xi32> to vector<2048x2xf32>
      %swap3A = arith.constant 0 : index
      %swap3A_107 = arith.constant 0 : index
      %swap3A_108 = vector.load %arg8[%swap3A, %swap3A_107] : memref<512x1xf32, #tpu.memory_space<vmem>>, vector<512x1xf32>
      tpu.vector_store %arg8[%swap3A, %swap3A_107], %max3A {strides = array<i32>} : memref<512x1xf32, #tpu.memory_space<vmem>>, vector<512x1xf32>,
      %get3A_109 = arith.constant 0 : index
      %get3A_110 = arith.constant 0 : index
      %get3A_111 = vector.load %arg9[%get3A_109, %get3A_110] : memref<512x1xf32, #tpu.memory_space<vmem>>, vector<512x1xf32>
      %mul3A_112 = arith.mulf %get3A_111, %exp3A : vector<512x1xf32>
      %reduce_sum3A = arith.constant dense<0.000000e+00> : vector<512xf32>
      %reduce_sum3A_113 = vector.multi_reduction <add>, %exp3A_51, %reduce_sum3A [1] : vector<512x2048xf32> to vector<512xf32>
      %broadcast_in_dim3A_114 = vector.shape_cast %reduce_sum3A_113 : vector<512xf32> to vector<512x1xf32>
      %add3A_115 = arith.addf %mul3A_112, %broadcast_in_dim3A_114 : vector<512x1xf32>
      %swap3A_116 = arith.constant 0 : index
      %swap3A_117 = arith.constant 0 : index
      %swap3A_118 = vector.load %arg9[%swap3A_116, %swap3A_117] : memref<512x1xf32, #tpu.memory_space<vmem>>, vector<512x1xf32>
      tpu.vector_store %arg9[%swap3A_116, %swap3A_117], %add3A_115 {strides = array<i32>} : memref<512x1xf32, #tpu.memory_space<vmem>>, vector<512x1xf32>,
      %get3A_119 = arith.constant 0 : index
      %get3A_120 = arith.constant 0 : index
      %get3A_121 = vector.load %arg10[%get3A_119, %get3A_120] : memref<512x2xf32, #tpu.memory_space<vmem>>, vector<512x2xf32>
      %mul3A_122 = vector.broadcast %exp3A : vector<512x1xf32> to vector<512x2xf32>
      %mul3A_123 = arith.mulf %get3A_121, %mul3A_122 : vector<512x2xf32>
      %dot_general3A_124 = arith.constant dense<0.000000e+00> : vector<512x2xf32>
      %dot_general3A_125 = tpu.matmul %exp3A_51, %convert_element_type3A_106, %dot_general3A_124 {dimension_numbers = #tpu.dot_dimension_numbers<[1], [0], [0], [1], [0, 0, 1, 1], [], []>, transpose_lhs_hint = false} : vector<512x2048xf32>, vector<2048x2xf32>, vector<512x2xf32> -> vector<512x2xf32>
      %add3A_126 = arith.addf %mul3A_123, %dot_general3A_125 : vector<512x2xf32>
      %swap3A_127 = arith.constant 0 : index
      %swap3A_128 = arith.constant 0 : index
      %swap3A_129 = vector.load %arg10[%swap3A_127, %swap3A_128] : memref<512x2xf32, #tpu.memory_space<vmem>>, vector<512x2xf32>
      tpu.vector_store %arg10[%swap3A_127, %swap3A_128], %add3A_126 {strides = array<i32>} : memref<512x2xf32, #tpu.memory_space<vmem>>, vector<512x2xf32>,
    } else {
    }
    %eq3A_22 = arith.constant 1 : i32
    %eq3A_23 = arith.cmpi eq, %arg1, %eq3A_22 : i32
    %eq3A_24 = arith.constant 7 : i32
    %eq3A_25 = arith.cmpi eq, %arg2, %eq3A_24 : i32
    %and3A_26 = arith.andi %eq3A_23, %eq3A_25 : i1
    %convert_element_type3A_27 = arith.extui %and3A_26 : i1 to i32
    %cond3A_28 = arith.constant 0 : i32
    %cond3A_29 = arith.cmpi ne, %convert_element_type3A_27, %cond3A_28 : i32
    scf.if %cond3A_29 {
      %get3A = arith.constant 0 : index
      %get3A_30 = arith.constant 0 : index
      %get3A_31 = vector.load %arg10[%get3A, %get3A_30] : memref<512x2xf32, #tpu.memory_space<vmem>>, vector<512x2xf32>
      %get3A_32 = arith.constant 0 : index
      %get3A_33 = arith.constant 0 : index
      %get3A_34 = vector.load %arg9[%get3A_32, %get3A_33] : memref<512x1xf32, #tpu.memory_space<vmem>>, vector<512x1xf32>
      %div3A = vector.broadcast %get3A_34 : vector<512x1xf32> to vector<512x2xf32>
      %div3A_35 = arith.divf %get3A_31, %div3A : vector<512x2xf32>
      %transpose3A = tpu.transpose %div3A_35, [1, 0] : vector<512x2xf32> -> vector<2x512xf32>
      %swap3A = arith.constant 0 : index
      %swap3A_36 = arith.constant 0 : index
      %swap3A_37 = arith.constant 0 : index
      %swap3A_38 = vector.load %arg6[%swap3A, %swap3A_36, %swap3A_37] : memref<1x2x512xf32, #tpu.memory_space<vmem>>, vector<1x2x512xf32>
      %swap3A_39 = vector.shape_cast %swap3A_38 : vector<1x2x512xf32> to vector<2x512xf32>
      %swap3A_40 = vector.shape_cast %transpose3A : vector<2x512xf32> to vector<1x2x512xf32>
      tpu.vector_store %arg6[%swap3A, %swap3A_36, %swap3A_37], %swap3A_40 {strides = array<i32>} : memref<1x2x512xf32, #tpu.memory_space<vmem>>, vector<1x2x512xf32>,
    } else {
    }
    return
  }
  func.func @transform_0(%arg0: i32, %arg1: i32, %arg2: i32) -> (i32, i32, i32) {
    %c0_i32 = arith.constant 0 : i32
    %c0_i32_0 = arith.constant 0 : i32
    %c0_i32_1 = arith.constant 0 : i32
    return %arg0, %c0_i32, %c0_i32_0 : i32, i32, i32
  }
  func.func @transform_1(%arg0: i32, %arg1: i32, %arg2: i32) -> (i32, i32, i32) {
    %sub3A = arith.constant 1 : i32
    %sub3A_0 = arith.subi %sub3A, %arg1 : i32
    %mul3A = arith.muli %arg2, %sub3A_0 : i32
    %c0_i32 = arith.constant 0 : i32
    %c0_i32_1 = arith.constant 0 : i32
    return %arg0, %c0_i32, %mul3A : i32, i32, i32
  }
  func.func @transform_2(%arg0: i32, %arg1: i32, %arg2: i32) -> (i32, i32, i32) {
    %mul3A = arith.muli %arg2, %arg1 : i32
    %c0_i32 = arith.constant 0 : i32
    %c0_i32_0 = arith.constant 0 : i32
    return %arg0, %c0_i32, %mul3A : i32, i32, i32
  }
  func.func @transform_3(%arg0: i32, %arg1: i32, %arg2: i32) -> (i32, i32, i32) {
    %c0_i32 = arith.constant 0 : i32
    %c0_i32_0 = arith.constant 0 : i32
    %c0_i32_1 = arith.constant 0 : i32
    return %arg0, %c0_i32, %c0_i32_0 : i32, i32, i32
  }
}

</mosaic_0001>

<sc_bundles>
// kernel: kernel.5.cloned.1.call-start
scs
__scs_entry_jumppad:
0x0: {  	(pc) =	sbr.rel $0x88, $3  }
0x1: {  	(tag) =	ssettag $0x0;
	lr =	simm.s32 $0x1  }
0x2: {  	[smem:$0x3F9E] =	sst lr;
	_ =	strace $0xD0000000  }
0x3: {  	_ = 	snop  }
0x4: {  	_ = 	snop  }
0x5: {  	_ = 	snop  }
0x6: {  	_ = 	snop  }
0x7: {  	_ = 	snop  }
__scs_overlays_trampoline_lowered:
0x8: {  	[smem:$0x3FAD] =	sst s0  }
0x9: {  	[smem:$0x3FAE] =	sst s1  }
0xa: {  	[smem:$0x3FAF] =	sst s2  }
0xb: {  	[smem:$0x3FB0] =	sst s3  }
0xc: {  	[smem:$0x3FB1] =	sst s4  }
0xd: {  	[smem:$0x3FB2] =	sst s5  }
0xe: {  	[smem:$0x3FB3] =	sst s6  }
0xf: {  	[smem:$0x3FB4] =	sst s7  }
0x10: {  	[smem:$0x3FB5] =	sst s8  }
0x11: {  	[smem:$0x3FB6] =	sst s9;
	s0 =	simm.s32 @!p0 $0x0  }
0x12: {  	s1 =	sld [smem:$0x3F9C];
	s0 =	simm.s32 @p0 $0x1  }
0x13: {  	[smem:$0x3FB7] =	sst s0;
	s0 =	simm.s32 @!p1 $0x0  }
0x14: {  	s2 =	sld [smem:$0x3F9B];
	s0 =	simm.s32 @p1 $0x1  }
0x15: {  	[smem:$0x3FB8] =	sst s0;
	s0 =	simm.s32 @!p2 $0x0  }
0x16: {  	s3 =	sld [smem:$0x3FDB];
	s0 =	simm.s32 @p2 $0x1  }
0x17: {  	s4 =	simm.s32 $0x1BF5;
	[smem:$0x3FBA] =	sst s0  }
0x18: {  	s0 =	sld [smem:$0x3F9D];
	_ =	swait.ge [sflag:s4], $0x0  }
0x19: {  	s7 =	sld [smem:$0x3F9E]  }
0x1a: {  	s8 =	sadd.s32 $0xFFFFE003, lr  }
0x1b: {  	s9 =	sadd.s32 $0xFFFFFEF7, lr;
	s5 =	simm.s32 $0xFFFFFFFF;
	p2 =	slt.u32 s8, $0xFFFFF086  }
0x1c: {  	p1 =	slt.u32 s9, $0xF7A;
	s5 =	simm.s32 @!p2 $0x0  }
0x1d: {  	s5 =	simm.s32 @p1 $0x1;
	p0 =	seq.s32 s7, s2  }
0x1e: {  	s7 =	smul.u32 @!p0 $0xF7A, s2;
	p2 =	seq.s32 @!p0 s5, $0x0  }
0x1f: {  	s9 =	smul.u32 $0xF7A, s1;
	s8 =	simm.s32 @!p0 $0x1BF5;
	p2 =	por !p2, p0  }
0x20: {  	[sflag:s8] =	ssyncset.s32 @!p0 $0xFFFFF086;
	s6 =	sadd.s32 @!p0 s3, s7;
	s7 =	simm.s32 @!p0 $0x108  }
0x21: {  	s3 =	sadd.s32 s3, s9;
	s6 =	sadd.s32 @!p0 $0x88, s6;
	s7 =	simm.s32 @p2 $0x1082  }
0x22: {  	[simem:s7], [sflag:s8] =	dma.local @!p0 [hbm:s6], $0xF7A  }
0x23: {  	s9 =	sor.u32 $0xD0000000, s2;
	s6 =	simm.s32 $0x108;
	_ =	swait.ge @!p0 [sflag:s8], $0x0  }
0x24: {  	s3 =	sadd.s32 $0x88, s3;
	s6 =	simm.s32 @!p1 $0x1082;
	[sflag:s4] =	ssyncset.s32 $0xFFFFF086  }
0x25: {  	[simem:s6], [sflag:s4] =	dma.local [hbm:s3], $0xF7A  }
0x26: {  	[smem:$0x3F9E] =	sst s1;
	(tag) =	ssettag s2;
	_ =	strace s9  }
0x27: {  	s1 =	sld [smem:$0x3FAE]  }
0x28: {  	s2 =	sld [smem:$0x3FAF]  }
0x29: {  	s4 =	sld [smem:$0x3FB1]  }
0x2a: {  	p0 =	seq.s32 s5, $0x0;
	s5 =	sld [smem:$0x3FB2]  }
0x2b: {  	s6 =	sld [smem:$0x3FB3]  }
0x2c: {  	s7 =	sld [smem:$0x3FB4]  }
0x2d: {  	s3 =	simm.s32 $0x108;
	s8 =	sld [smem:$0x3FB5]  }
0x2e: {  	s3 =	simm.s32 @!p0 $0x1082;
	s9 =	sld [smem:$0x3FB6]  }
0x2f: {  	lr =	sadd.s32 s0, s3;
	s0 =	sld [smem:$0x3FAD]  }
0x30: {  	s3 =	sld [smem:$0x3FB0]  }
0x31: {  	[smem:$0x3FB9] =	sst s10  }
0x32: {  	s10 =	sld [smem:$0x3FB7];
	_ =	sdelay $0x3  }
0x33: {  	p0 =	seq.s32 s10, $0x1;
	s10 =	sld [smem:$0x3FB9];
	_ =	sdelay $0x3  }
0x34: {  	[smem:$0x3FB9] =	sst s10  }
0x35: {  	s10 =	sld [smem:$0x3FB8];
	_ =	sdelay $0x3  }
0x36: {  	p1 =	seq.s32 s10, $0x1;
	s10 =	sld [smem:$0x3FB9];
	_ =	sdelay $0x3  }
0x37: {  	[smem:$0x3FB9] =	sst s10  }
0x38: {  	s10 =	sld [smem:$0x3FBA]  }
0x39: {  	_ = 	snop;
	(pc) =	sbr.ind lr, $3  }
0x3a: {  	_ = 	snop  }
0x3b: {  	_ = 	snop  }
0x3c: {  	p2 =	seq.s32 s10, $0x1;
	s10 =	sld [smem:$0x3FB9]  }
0x3d: {  	_ =	shalt  }
0x3e: {  	_ =	shalt  }
0x3f: {  	_ =	shalt  }
0x40: {  	_ =	shalt  }
0x41: {  	_ =	shalt  }
0x42: {  	_ =	shalt  }
0x43: {  	_ =	shalt  }
0x44: {  	_ =	shalt  }
0x45: {  	_ =	shalt  }
0x46: {  	_ =	shalt  }
0x47: {  	_ =	shalt  }
0x48: {  	_ =	shalt  }
0x49: {  	_ =	shalt  }
0x4a: {  	_ =	shalt  }
0x4b: {  	_ =	shalt  }
0x4c: {  	_ =	shalt  }
0x4d: {  	_ =	shalt  }
0x4e: {  	_ =	shalt  }
0x4f: {  	_ =	shalt  }
0x50: {  	_ =	shalt  }
0x51: {  	_ =	shalt  }
0x52: {  	_ =	shalt  }
0x53: {  	_ =	shalt  }
0x54: {  	_ =	shalt  }
0x55: {  	_ =	shalt  }
0x56: {  	_ =	shalt  }
0x57: {  	_ =	shalt  }
0x58: {  	_ =	shalt  }
0x59: {  	_ =	shalt  }
0x5a: {  	_ =	shalt  }
0x5b: {  	_ =	shalt  }
0x5c: {  	_ =	shalt  }
0x5d: {  	_ =	shalt  }
0x5e: {  	_ =	shalt  }
0x5f: {  	_ =	shalt  }
0x60: {  	_ =	shalt  }
0x61: {  	_ =	shalt  }
0x62: {  	_ =	shalt  }
0x63: {  	_ =	shalt  }
0x64: {  	_ =	shalt  }
0x65: {  	_ =	shalt  }
0x66: {  	_ =	shalt  }
0x67: {  	_ =	shalt  }
0x68: {  	_ =	shalt  }
0x69: {  	_ =	shalt  }
0x6a: {  	_ =	shalt  }
0x6b: {  	_ =	shalt  }
0x6c: {  	_ =	shalt  }
0x6d: {  	_ =	shalt  }
0x6e: {  	_ =	shalt  }
0x6f: {  	_ =	shalt  }
0x70: {  	_ =	shalt  }
0x71: {  	_ =	shalt  }
0x72: {  	_ =	shalt  }
0x73: {  	_ =	shalt  }
0x74: {  	_ =	shalt  }
0x75: {  	_ =	shalt  }
0x76: {  	_ =	shalt  }
0x77: {  	_ =	shalt  }
0x78: {  	_ =	shalt  }
0x79: {  	_ =	shalt  }
0x7a: {  	_ =	shalt  }
0x7b: {  	_ =	shalt  }
0x7c: {  	_ =	shalt  }
0x7d: {  	_ =	shalt  }
0x7e: {  	_ =	shalt  }
0x7f: {  	_ =	shalt  }
0x80: {  	_ =	shalt  }
0x81: {  	_ =	shalt  }
0x82: {  	_ =	shalt  }
0x83: {  	_ =	shalt  }
0x84: {  	_ =	shalt  }
0x85: {  	_ =	shalt  }
0x86: {  	_ =	shalt  }
0x87: {  	_ =	shalt  }
.Lfunc_end0:
.L_simem_size_0:
called_computation_lowered:
.L_overlay_start_0:
0x88: {  	s2 =	sld [smem:$0x3FD9]  }
0x89: {  	s3 =	sld [smem:$0x3FFE];
	_ =	sdelay $0x1  }
0x8a: {  	s1 =	srdreg.scid  }
0x8b: {  	s0 =	sand.u32 $0x1, s1  }
0x8c: {  	s17 =	sshll.u32 s0, $0xA;
	s2 =	sadd.s32 s3, s2  }
0x8d: {  	s2 =	sadd.s32 s2, s17  }
0x8e: {  	[smem:$0x3FC5] =	sst s2  }
0x8f: {  	_ = 	snop  }
0x90: {  	s2 =	sld [smem:$0x3FD0];
	(tm) =	ssettm $0x1  }
0x91: {  	s18 =	sld [smem:$0x3FFB];
	_ =	sdelay $0x3  }
0x92: {  	_ =	strace s18  }
0x93: {  	s3 =	sld [smem:$0x3FFC];
	_ =	sdelay $0x3  }
0x94: {  	_ =	strace s3  }
0x95: {  	s3 =	sld [smem:$0x3FFD];
	_ =	sdelay $0x3  }
0x96: {  	_ =	strace s3  }
0x97: {  	_ =	strace $0x8FFFFFFF  }
0x98: {  	s19 =	sld [smem:$0x3FDB];
	_ =	sdelay $0x1  }
0x99: {  	s4 =	simm.s32 $_scs_section_size  }
0x9a: {  	s5 =	simm.s32 $_size__tile_overlayer_lowered;
	s6 =	simm.s32 $_tile_overlayer_lowered  }
0x9b: {  	s22 =	simm.s32 $0x1BFF;
	s21 =	sshll.u32 s6, $0x1;
	s3 =	sadd.s32 s4, s19  }
0x9c: {  	s7 =	simm.s32 $0x0;
	s20 =	sshll.u32 s5, $0x1;
	s5 =	sadd.s32 s21, s3  }
0x9d: {  	[timem:s7], [sflag:s22] =	dma.local [hbm:s5], s20  }
0x9e: {  	_ =	swait.ge [sflag:s22], s20  }
0x9f: {  	s4 =	ssub.s32 $0x0, s20;
	[sflag:s22] =	ssyncset.done $0x0  }
0xa0: {  	[sflag:s22] =	ssyncadd.s32 s4;
	_ =	sdelay $0x1  }
0xa1: {  	s23 =	simm.s32 $0x1B8B  }
0xa2: {  	_ =	swait.ge [sflag:s23], $0x1  }
0xa3: {  	[sflag:s23] =	ssyncset.done $0x0  }
0xa4: {  	s25 =	simm.s32 $0x1B8E;
	s24 =	sld [smem:$0x3FFE];
	[sflag:s23] =	ssyncadd.s32 $0xFFFFFFFF  }
0xa5: {  	s26 =	simm.s32 $execute0_lowered;
	[smem:$0x3FD2] =	sst s25  }
0xa6: {  	s5 =	sshll.u32 s26, $0x1;
	_ =	strace $0x80000046;
	[dreg:$0x1] =	wrdreg $0xFFFFFFFF  }
0xa7: {  	s28 =	simm.s32 $_size_execute0_lowered;
	s3 =	sadd.s32 s3, s5;
	[dreg:$0x0] =	wrdreg $0x0  }
0xa8: {  	s5 =	sshll.u32 s28, $0x1;
	[dreg:$0x2] =	wrdreg s3  }
0xa9: {  	[dreg:$0x3] =	wrdreg s5  }
0xaa: {  	[dreg:$0x4] =	wrdreg $0xC0  }
0xab: {  	_ =	task [dreg:s7], $0x5FFFF  }
0xac: {  	[dreg:$0x1] =	wrdreg $0xFFFFFFFF  }
0xad: {  	[dreg:$0x0] =	wrdreg $0x60  }
0xae: {  	[dreg:$0x2] =	wrdreg s2  }
0xaf: {  	[dreg:$0x3] =	wrdreg s24  }
0xb0: {  	[dreg:$0x4] =	wrdreg $0x9  }
0xb1: {  	_ =	task.clear_ibuf [dreg:s7], $0x5FFFF;
	_ =	strace $0x90000046  }
0xb2: {  	s29 =	simm.s32 $0x9;
	_ =	strace $0x80000048  }
0xb3: {  	_ =	swait.ge [sflag:s29], $0x1  }
0xb4: {  	[sflag:s29] =	ssyncadd.s32 $0xFFFFFFFF  }
0xb5: {  	_ =	strace $0x90000048  }
0xb6: {  	_ =	sfence  }
0xb7: {  	s30 =	sld [smem:$0x0];
	_ =	sdelay $0x2  }
0xb8: {  	s31 =	sshll.u32 s1, $0xD;
	s1 =	sshrl.u32 s1, $0x2  }
0xb9: {  	s3 =	sand.u32 $0x4000, s31;
	s1 =	sadd.s32 s1, s30  }
0xba: {  	s0 =	sor.u32 s3, s0;
	s1 =	sshll.u32 s1, $0x11  }
0xbb: {  	s0 =	sor.u32 s1, s0  }
0xbc: {  	s0 =	sadd.s32 $0x8F2B, s0  }
0xbd: {  	[sflag:s0] =	ssyncadd.remote.s32 $0x1  }
0xbe: {  	_ =	sfence.sel $0xFFFF  }
0xbf: {  	[dreg:$0x0] =	wrdreg $0xFFFFFFFF;
	(pc) =	sbr.abs _section_cstart, $3  }
0xc0: {  	[dreg:$0x1] =	wrdreg $0xFFFFFFFF  }
0xc1: {  	_ =	task.clear_ibuf [dreg:s7], $0x2FFFF;
	_ =	strace $0x9FFFFFFF  }
0xc2: {  	(tm) =	ssettm $0x7FFFFFFF  }
0xc3: {  	_ =	shalt  }
tec
execute0_lowered:
.L_overlay_start_1:
0x0: {  	(tag) =	ssettag $0x1  }
0x1: {  	s1 =	stileid.u32  }
0x2: {  	p0 =	sgt.u32 s1, $0x1  }
.Ltmp0:
0x3: {  	_ = 	snop;
	(pc) =	sbr.rel @p0 .LBB2_31-.Ltmp0, $4  }
0x4: {  	s4 =	rddreg [dreg:$0x0]  }
0x5: {  	s3 =	rddreg [dreg:$0x1];
	s2 =	simm.s32 $0x0  }
0x6: {  	[smem:$0x7FF] =	sst s2  }
0x7: {  	s0 =	rddreg [dreg:$0x2];
	_ =	strace $0x80000047  }
0x8: {  	s5 =	srdreg.scid;
	s6 =	sshll.u32 s1, $0x5  }
0x9: {  	s8 =	simm.s32 $0x1;
	s9 =	simm.s32 $0x4000;
	s5 =	sand.u32 $0x1, s5  }
0xa: {  	v0 =	vlaneseq.u32;
	s10 =	simm.s32 $0x8880;
	s7 =	sshll.u32 s5, $0x4;
	s5 =	ssub.s32 $0x2, s5  }
0xb: {  	v3 =	vmul.u32 $0xFFFFFFFF, v0;
	s6 =	sor.u32 s7, s6;
	s31 =	sshrl.u32 s5, $0x1;
	s7 =	simm.s32 $0x200  }
0xc: {  	s3 =	sadd.s32 s6, s3;
	s5 =	ssub.s32 s5, s31;
	s4 =	sadd.s32 s4, s6  }
0xd: {  	v1 =	vimm.s32 $0x0;
	v2 =	vimm.s32 $0x1;
	v3 =	vadd.s32 $0xF, v3;
	s6 =	simm.s32 $0x80;
	s3 =	sadd.s32 $0xA00, s3;
	s5 =	smax.u32 s5, $0x1  }
.LBB2_2:
0xe: {  	s11 =	simm.s32 $0x0  }
0xf: {  	[tilespmem:s11], [sflag:$0x1] =	stream.strided.gather [hbm4b:s4+s6], $0x4000, s7, s6, $0x38;
	[tilespmem:$0x8B00] =	vst v63  }
0x10: {  	_ =	swait.ge [sflag:s8], $0x4000  }
0x11: {  	[sflag:s8] =	ssyncset.done $0x0  }
0x12: {  	s12 =	simm.s32 $0x40;
	s13 =	simm.s32 $0x0;
	[sflag:s8] =	ssyncadd.s32 $0xFFFFC000  }
.LBB2_3:
0x13: {  	p0 =	sne.s32 s12, $0x1FC0;
	[tilespmem:s13+$0x4000] =	vst v1;
	s13 =	smov.u32 s12;
	s12 =	sadd.s32 $0x40, s12  }
.Ltmp1:
0x14: {  	(pc) =	sbr.rel @p0 .LBB2_3-.Ltmp1, $2  }
0x15: {  	_ =	sdelay $0x2  }
0x16: {  	s13 =	sshra.s32 s13, $0x2  }
0x17: {  	[tilespmem:s13+$0x4000] =	vst v1  }
.LBB2_5:
0x18: {  	s12 =	sshra.s32 s11, $0x2  }
0x19: {  	v4 =	vld [tilespmem:s12+$0x0];
	_ =	sdelay $0x4  }
0x1a: {  	p0 =	sne.s32 s11, $0xFFC0;
	v4 =	vshra.s32 v4, $0x13  }
.Ltmp2:
0x1b: {  	_ = 	snop;
	(pc) =	sbr.rel @p0 .LBB2_5-.Ltmp2, $2  }
0x1c: {  	_ =	sdelay $0x2  }
0x1d: {  	s11 =	sadd.s32 $0x40, s11;
	[tilespmem:v4+s9+$0x0] =	vst.idx.add.s32.msk $0xffff, v2  }
0x1e: {  	s11 =	simm.s32 $0x47F0  }
0x1f: {  	v4 =	vld [tilespmem:s11+$0x0];
	_ =	sdelay $0x4  }
0x20: {  	(xrf0) =	vadd.scan.msk.s32 $0xffff, v4  }
0x21: {  	s24 =	simm.s32 $0x47E0  }
0x22: {  	v5 =	vld [tilespmem:s24+$0x0];
	_ =	sdelay $0x3  }
0x23: {  	v4 =	vperm.xlane v4, v3;
	v6, _, _ =	vpop (xrf0)  }
0x24: {  	(xrf0) =	vadd.scan.msk.s32 $0xffff, v5;
	(v2sf) =	vpush v6, $0xF  }
0x25: {  	(xrf0) =	vadd.scan.msk.s32 $0xffff, v4;
	_ =	sdelay $0x1  }
0x26: {  	s25 =	simm.s32 $0x47D0  }
0x27: {  	v6 =	vld [tilespmem:s25+$0x0];
	_ =	sdelay $0x1  }
0x28: {  	v7, _, _ =	vpop (xrf0)  }
0x29: {  	s13 =	simm.s32 $0x0;
	(v2sf) =	vpush v7, $0xF;
	v7, _, _ =	vpop (xrf0)  }
0x2a: {  	v5 =	vperm.xlane v5, v3;
	v7 =	vadd.s32 s13, v7  }
0x2b: {  	vm0 =	vgt.s32 v7, $0x1FF;
	(xrf0) =	vadd.scan.msk.s32 $0xffff, v6  }
0x2c: {  	v8 =	vmpcnt.ones.xlane vm0;
	(xrf0) =	vadd.scan.msk.s32 $0xffff, v5;
	_ =	sdelay $0x1  }
0x2d: {  	v4 =	vsub.s32 v7, v4;
	v7 =	vxor.u32 $0x80000000, v8  }
0x2e: {  	s26 =	simm.s32 $0x47C0;
	v9 =	vmctz.xlane vm0  }
0x2f: {  	v10 =	vld [tilespmem:s26+$0x0]  }
0x30: {  	v4 =	vxor.u32 $0x80000000, v4;
	vm0 =	veq.s32 v9, v0;
	v8 =	vxor.u32 $0x80000000, v9;
	(xrf0) =	vmax.scan.msk.u32 $0xffff, v7;
	v7, _, _ =	vpop (xrf0);
	s28 =	spop (v2sf)  }
0x31: {  	v4 =	vnsel vm0, $0x80000000, v4;
	(xrf0) =	vmax.scan.msk.u32 $0xffff, v8;
	(v2sf) =	vpush v7, $0xF;
	v7, _, _ =	vpop (xrf0);
	s11 =	sadd.s32 $0x0, s28  }
0x32: {  	(xrf0) =	vmax.scan.msk.u32 $0xffff, v4;
	v4 =	vadd.s32 s11, v7  }
0x33: {  	v6 =	vperm.xlane v6, v3;
	vm13 =	vgt.s32 v4, $0x1FF  }
0x34: {  	(xrf0) =	vadd.scan.msk.s32 $0xffff, v10;
	v7 =	vmpcnt.ones.xlane vm13  }
0x35: {  	(xrf0) =	vadd.scan.msk.s32 $0xffff, v6;
	v8 =	vmctz.xlane vm13  }
0x36: {  	v4 =	vsub.s32 v4, v5;
	v7 =	vxor.u32 $0x80000000, v7  }
0x37: {  	s12 =	simm.s32 $0x47B0;
	v5, _, _ =	vpop (xrf0);
	v4 =	vxor.u32 $0x80000000, v4;
	vm0 =	veq.s32 v8, v0;
	v8 =	vxor.u32 $0x80000000, v8  }
0x38: {  	v9 =	vld [tilespmem:s12+$0x0];
	v11, _, _ =	vpop (xrf0);
	v4 =	vnsel vm0, $0x80000000, v4  }
0x39: {  	(xrf0) =	vmax.scan.msk.u32 $0xffff, v7;
	v7, _, _ =	vpop (xrf0)  }
0x3a: {  	s29 =	spop (v2sf);
	(xrf0) =	vmax.scan.msk.u32 $0xffff, v8;
	v8, _, _ =	vpop (xrf0)  }
0x3b: {  	s11 =	sadd.s32 s11, s29;
	(xrf0) =	vmax.scan.msk.u32 $0xffff, v4;
	v4, _, _ =	vpop (xrf0)  }
0x3c: {  	(v2sf) =	vpush v5, $0xF;
	v4 =	vadd.s32 s11, v4  }
0x3d: {  	(v2sf) =	vpush v11, $0xF;
	(xrf0) =	vadd.scan.msk.s32 $0xffff, v9;
	vm14 =	vgt.s32 v4, $0x1FF  }
0x3e: {  	v10 =	vperm.xlane v10, v3;
	(v2sf) =	vpush v7, $0xF;
	v7 =	vmpcnt.ones.xlane vm14  }
0x3f: {  	(v2sf) =	vpush v8, $0xF  }
0x40: {  	(xrf0) =	vadd.scan.msk.s32 $0xffff, v10;
	v11, _, _ =	vpop (xrf0);
	v4 =	vsub.s32 v4, v6;
	v6 =	vxor.u32 $0x80000000, v7  }
0x41: {  	v8 =	vmctz.xlane vm14;
	(v2sf) =	vpush v11, $0xF;
	v12, _, _ =	vpop (xrf0)  }
0x42: {  	s30 =	simm.s32 $0x47A0;
	s31 =	spop (v2sf);
	(v2sf) =	vpush v12, $0xF;
	v7, _, _ =	vpop (xrf0)  }
0x43: {  	v5 =	vld [tilespmem:s30+$0x0];
	vm0 =	veq.s32 v8, v0;
	v8 =	vxor.u32 $0x80000000, v8;
	(xrf0) =	vmax.scan.msk.u32 $0xffff, v6;
	v6, _, _ =	vpop (xrf0);
	(v2sf) =	vpush v7, $0xF  }
0x44: {  	(v2sf) =	vpush v6, $0xF  }
0x45: {  	v4 =	vxor.u32 $0x80000000, v4  }
0x46: {  	s19 =	simm.s32 $0x800;
	s21 =	sadd.s32 s11, s31;
	v11 =	vnsel vm0, $0x80000000, v4;
	(xrf0) =	vmax.scan.msk.u32 $0xffff, v8;
	v8, _, _ =	vpop (xrf0)  }
0x47: {  	s18 =	simm.s32 $0x7F0;
	s17 =	simm.s32 $0x7E0;
	s15 =	simm.s32 $0x7D0;
	v4 =	vperm.xlane v9, v3;
	(xrf0) =	vmax.scan.msk.u32 $0xffff, v11;
	v7 =	vadd.s32 s21, v8  }
0x48: {  	s16 =	simm.s32 $0x7C0;
	s14 =	simm.s32 $0x7B0;
	s20 =	simm.s32 $0x4790;
	(xrf0) =	vadd.scan.msk.s32 $0xffff, v5;
	vm15 =	vgt.s32 v7, $0x1FF;
	v6 =	vsub.s32 v7, v10  }
0x49: {  	s22 =	simm.s32 $0x7A0;
	s12 =	simm.s32 $0x0;
	s11 =	simm.s32 $0x0;
	(xrf0) =	vadd.scan.msk.s32 $0xffff, v4;
	v8 =	vmpcnt.ones.xlane vm15;
	v7 =	vmctz.xlane vm15;
	v6 =	vxor.u32 $0x80000000, v6  }
.LBB2_7:
0x4a: {  	p0 =	sne.s32 s22, $0x10  }
0x4b: {  	v9 =	vld [tilespmem:s20+$0x0];
	v10, _, _ =	vpop (xrf0);
	s23 =	spop (v2sf);
	s24 =	smov.u32 s14;
	s14 =	smov.u32 s22  }
0x4c: {  	p1 =	seq.s32 s13, $0x0;
	v11 =	vxor.u32 $0x80000000, v8;
	vm0 =	veq.s32 v7, v0;
	(v2sf) =	vpush v10, $0xF;
	v10, _, _ =	vpop (xrf0);
	p2 =	sgt.u32 s23, $0x80000000;
	s23 =	spop (v2sf)  }
0x4d: {  	v7 =	vxor.u32 $0x80000000, v7;
	v6 =	vnsel vm0, $0x80000000, v6;
	(xrf0) =	vmax.scan.msk.u32 $0xffff, v11;
	(v2sf) =	vpush v10, $0xF;
	v8, _, _ =	vpop (xrf0);
	p1 =	por !p1, !p2;
	s23 =	sxor.u32 $0x7FFFFFFF, s23;
	s25 =	spop (v2sf)  }
0x4e: {  	s26 =	spop (v2sf)  }
.Ltmp3:
0x4f: {  	v10, _, _ =	vpop (xrf0);
	(xrf0) =	vmax.scan.msk.u32 $0xffff, v7;
	(v2sf) =	vpush v8, $0xF;
	p1 =	por !p1, !p1;
	s19 =	sadd.s32 s23, s19;
	(pc) =	sbr.rel @p0 .LBB2_7-.Ltmp3, $4  }
0x50: {  	v7 =	vperm.xlane v5, v3;
	s23 =	sxor.u32 $0x80000000, s25;
	(v2sf) =	vpush v10, $0xF;
	v5, _, _ =	vpop (xrf0);
	s21 =	sadd.s32 s21, s26;
	(xrf0) =	vmax.scan.msk.u32 $0xffff, v6;
	s13 =	simm.s32 @p1 $0x1  }
0x51: {  	s12 =	smov.u32 @p1 s19;
	s11 =	smov.u32 @p1 s23;
	s19 =	smov.u32 s18;
	(xrf0) =	vadd.scan.msk.s32 $0xffff, v9;
	v6 =	vadd.s32 s21, v5;
	v5 =	vmov v9  }
0x52: {  	s18 =	smov.u32 s17;
	s17 =	smov.u32 s15;
	s15 =	smov.u32 s16;
	(xrf0) =	vadd.scan.msk.s32 $0xffff, v7;
	vm0 =	vgt.s32 v6, $0x1FF;
	v6 =	vsub.s32 v6, v4;
	v4 =	vmov v7  }
0x53: {  	s20 =	sadd.s32 $0xFFFFFFF0, s20;
	s22 =	sadd.s32 $0xFFFFFFF0, s22;
	s16 =	smov.u32 s24;
	v8 =	vmpcnt.ones.xlane vm0;
	v7 =	vmctz.xlane vm0;
	v6 =	vxor.u32 $0x80000000, v6  }
0x54: {  	_ =	sdelay $0x1  }
0x55: {  	v8 =	vxor.u32 $0x80000000, v8;
	vm0 =	veq.s32 v7, v0;
	v7 =	vxor.u32 $0x80000000, v7  }
0x56: {  	(xrf0) =	vmax.scan.msk.u32 $0xffff, v8;
	v6 =	vnsel vm0, $0x80000000, v6  }
0x57: {  	v59, _, _ =	vpop (xrf0);
	s24 =	spop (v2sf);
	v5 =	vperm.xlane v5, v3;
	(xrf0) =	vmax.scan.msk.u32 $0xffff, v7  }
0x58: {  	s23 =	spop (v2sf);
	v7, _, _ =	vpop (xrf0);
	(xrf0) =	vmax.scan.msk.u32 $0xffff, v6  }
0x59: {  	s20 =	spop (v2sf);
	v6, _, _ =	vpop (xrf0);
	(xrf0) =	vadd.scan.msk.s32 $0xffff, v5  }
0x5a: {  	s22 =	spop (v2sf);
	v9, _, _ =	vpop (xrf0)  }
0x5b: {  	s25 =	sadd.s32 s21, s22;
	v10, _, _ =	vpop (xrf0);
	s26 =	spop (v2sf)  }
0x5c: {  	v10 =	vadd.s32 s25, v10;
	v11, _, _ =	vpop (xrf0);
	s22 =	spop (v2sf)  }
0x5d: {  	vm13 =	vgt.s32 v10, $0x1FF;
	v12, _, _ =	vpop (xrf0);
	s21 =	spop (v2sf)  }
0x5e: {  	(v2sf) =	vpush v59, $0xF;
	v60 =	vmpcnt.ones.xlane vm13;
	v13, _, _ =	vpop (xrf0);
	s28 =	spop (v2sf)  }
0x5f: {  	(v2sf) =	vpush v7, $0xF;
	v4 =	vsub.s32 v10, v4;
	v7, _, _ =	vpop (xrf0);
	s25 =	sadd.s32 s25, s28  }
0x60: {  	v61 =	vmctz.xlane vm13;
	v8 =	vxor.u32 $0x80000000, v60;
	v7 =	vadd.s32 s25, v7  }
0x61: {  	(v2sf) =	vpush v6, $0xF;
	v4 =	vxor.u32 $0x80000000, v4;
	(xrf0) =	vmax.scan.msk.u32 $0xffff, v8;
	vm14 =	vgt.s32 v7, $0x1FF  }
0x62: {  	vm1 =	veq.s32 v61, v0;
	v6 =	vxor.u32 $0x80000000, v61;
	v62 =	vmpcnt.ones.xlane vm14  }
0x63: {  	(v2sf) =	vpush v9, $0xF;
	v4 =	vnsel vm1, $0x80000000, v4;
	(xrf0) =	vmax.scan.msk.u32 $0xffff, v6  }
0x64: {  	(v2sf) =	vpush v11, $0xF;
	(xrf0) =	vmax.scan.msk.u32 $0xffff, v4;
	v6 =	vmctz.xlane vm14;
	v4 =	vxor.u32 $0x80000000, v62  }
0x65: {  	(xrf0) =	vmax.scan.msk.u32 $0xffff, v4  }
0x66: {  	(v2sf) =	vpush v12, $0xF;
	v63 =	vxor.u32 $0x80000000, v6  }
0x67: {  	(v2sf) =	vpush v13, $0xF;
	v4, _, _ =	vpop (xrf0);
	(xrf0) =	vmax.scan.msk.u32 $0xffff, v63  }
0x68: {  	p0 =	seq.s32 s13, $0x0;
	p1 =	sgt.u32 s24, $0x80000000;
	(v2sf) =	vpush v4, $0xF  }
0x69: {  	p0 =	por !p0, !p1;
	v4, _, _ =	vpop (xrf0)  }
0x6a: {  	p0 =	por !p0, !p0;
	(v2sf) =	vpush v4, $0xF;
	v4, _, _ =	vpop (xrf0)  }
0x6b: {  	s13 =	simm.s32 @p0 $0x1;
	(v2sf) =	vpush v4, $0xF;
	v4, _, _ =	vpop (xrf0)  }
0x6c: {  	p3 =	seq.s32 s13, $0x0;
	p2 =	sgt.u32 s26, $0x80000000;
	(v2sf) =	vpush v4, $0xF  }
0x6d: {  	p1 =	por !p3, !p2;
	v4, _, _ =	vpop (xrf0)  }
0x6e: {  	p1 =	por !p1, !p1;
	s29 =	spop (v2sf);
	(v2sf) =	vpush v4, $0xF  }
0x6f: {  	s13 =	simm.s32 @p1 $0x1  }
0x70: {  	p4 =	seq.s32 s13, $0x0;
	p3 =	sgt.u32 s29, $0x80000000;
	s30 =	spop (v2sf)  }
0x71: {  	s23 =	sxor.u32 $0x7FFFFFFF, s23;
	p2 =	por !p4, !p3;
	s24 =	spop (v2sf)  }
0x72: {  	s19 =	sadd.s32 s23, s19;
	p2 =	por !p2, !p2;
	s31 =	spop (v2sf);
	v4 =	vsub.s32 v7, v5  }
0x73: {  	s12 =	smov.u32 @p0 s19;
	vm0 =	veq.s32 v6, v0;
	s13 =	simm.s32 @p2 $0x1;
	s26 =	spop (v2sf);
	v4 =	vxor.u32 $0x80000000, v4  }
0x74: {  	s22 =	sxor.u32 $0x7FFFFFFF, s22;
	p5 =	seq.s32 s13, $0x0;
	p4 =	sgt.u32 s26, $0x80000000;
	v4 =	vnsel vm0, $0x80000000, v4  }
0x75: {  	s18 =	sadd.s32 s22, s18;
	s23 =	spop (v2sf);
	p3 =	por !p5, !p4;
	(xrf0) =	vmax.scan.msk.u32 $0xffff, v4  }
0x76: {  	s22 =	simm.s32 $0x0;
	s19 =	spop (v2sf);
	p3 =	por !p3, !p3  }
0x77: {  	s12 =	smov.u32 @p1 s18;
	s13 =	simm.s32 @p3 $0x1;
	s28 =	spop (v2sf)  }
0x78: {  	s30 =	sxor.u32 $0x7FFFFFFF, s30;
	p6 =	seq.s32 s13, $0x0;
	p5 =	sgt.u32 s28, $0x80000000  }
0x79: {  	s17 =	sadd.s32 s30, s17;
	s29 =	spop (v2sf);
	p4 =	por !p6, !p5  }
0x7a: {  	s12 =	smov.u32 @p2 s17;
	s25 =	spop (v2sf);
	p4 =	por !p4, !p4  }
0x7b: {  	s26 =	sxor.u32 $0x7FFFFFFF, s23;
	v4, _, _ =	vpop (xrf0);
	s13 =	simm.s32 @p4 $0x1;
	s31 =	spop (v2sf)  }
0x7c: {  	v5 =	vld [tilespmem:s22+$0x0];
	(v2sf) =	vpush v4, $0xF;
	s28 =	sxor.u32 $0x7FFFFFFF, s29;
	p5 =	seq.s32 s13, $0x0;
	p6 =	sgt.u32 s31, $0x80000000  }
0x7d: {  	s13 =	sadd.s32 s26, s15;
	p5 =	por !p5, !p6;
	s29 =	spop (v2sf)  }
0x7e: {  	s12 =	smov.u32 @p3 s13;
	s13 =	sadd.s32 s28, s16;
	s30 =	sxor.u32 $0x7FFFFFFF, s29  }
0x7f: {  	s12 =	smov.u32 @p4 s13;
	p5 =	por !p5, !p5;
	s13 =	sadd.s32 s30, s14  }
0x80: {  	s12 =	smov.u32 @p5 s13  }
0x81: {  	v6 =	vshra.s32 v5, $0x13;
	v4 =	vmov s12  }
0x82: {  	vm15 =	veq.s32 v6, v4  }
0x83: {  	v6 =	vmpcnt.ones.xlane vm15;
	_ =	sdelay $0x1  }
0x84: {  	v6 =	vxor.u32 $0x80000000, v6  }
0x85: {  	(xrf0) =	vmax.scan.msk.u32 $0xffff, v6  }
0x86: {  	s13 =	sxor.u32 $0x80000000, s20  }
0x87: {  	s11 =	smov.u32 @p0 s13;
	s13 =	sxor.u32 $0x80000000, s21  }
0x88: {  	s11 =	smov.u32 @p1 s13;
	s13 =	sxor.u32 $0x80000000, s24  }
0x89: {  	s11 =	smov.u32 @p2 s13;
	s13 =	sxor.u32 $0x80000000, s19  }
0x8a: {  	s11 =	smov.u32 @p3 s13;
	s13 =	sxor.u32 $0x80000000, s25;
	s31 =	spop (v2sf)  }
0x8b: {  	s11 =	smov.u32 @p4 s13;
	s13 =	simm.s32 $0x0;
	s14 =	sxor.u32 $0x80000000, s31;
	v6, _, _ =	vpop (xrf0)  }
0x8c: {  	s15 =	simm.s32 $0x10;
	[tilespmem:s13+$0x4800] =	vst.msk vm15, v5;
	s11 =	smov.u32 @p5 s14;
	s14 =	simm.s32 $0x80;
	(v2sf) =	vpush v6, $0xF  }
.LBB2_9:
0x8d: {  	p0 =	sne.s32 s14, $0xFFC0;
	v5 =	vld [tilespmem:s15+$0x0];
	_ =	sdelay $0x4  }
0x8e: {  	v6 =	vshra.s32 v5, $0x13  }
0x8f: {  	vm0 =	veq.s32 v6, v4  }
0x90: {  	v6 =	vmpcnt.ones.xlane vm0;
	_ =	sdelay $0x1  }
0x91: {  	v6 =	vxor.u32 $0x80000000, v6  }
0x92: {  	(xrf0) =	vmax.scan.msk.u32 $0xffff, v6;
	_ =	sdelay $0x2  }
.Ltmp4:
0x93: {  	(pc) =	sbr.rel @p0 .LBB2_9-.Ltmp4, $4  }
0x94: {  	s15 =	spop (v2sf)  }
0x95: {  	s13 =	sadd.s32 s15, s13  }
0x96: {  	v6, _, _ =	vpop (xrf0);
	s13 =	sadd.s32 $0x80000000, s13  }
0x97: {  	s15 =	sshra.s32 s14, $0x2;
	s14 =	sadd.s32 $0x40, s14;
	[tilespmem:s13+$0x4800] =	vst.msk vm0, v5;
	(v2sf) =	vpush v6, $0xF  }
0x98: {  	v5 =	vld [tilespmem:s15+$0x0];
	_ =	sdelay $0x4  }
0x99: {  	v6 =	vshra.s32 v5, $0x13  }
0x9a: {  	vm0 =	veq.s32 v6, v4  }
0x9b: {  	v4 =	vmpcnt.ones.xlane vm0;
	_ =	sdelay $0x1  }
0x9c: {  	v4 =	vxor.u32 $0x80000000, v4  }
0x9d: {  	(xrf0) =	vmax.scan.msk.u32 $0xffff, v4;
	_ =	sdelay $0x5  }
0x9e: {  	v4, _, _ =	vpop (xrf0)  }
0x9f: {  	(v2sf) =	vpush v4, $0xF;
	_ =	sdelay $0xc  }
0xa0: {  	s14 =	spop (v2sf)  }
0xa1: {  	s13 =	sadd.s32 s14, s13  }
0xa2: {  	s28 =	sadd.s32 $0x80000000, s13;
	s29 =	spop (v2sf)  }
0xa3: {  	s13 =	sadd.s32 s29, s28  }
0xa4: {  	s16 =	sadd.s32 $0x80000000, s13  }
0xa5: {  	s13 =	sadd.s32 $0xF, s16  }
0xa6: {  	s30 =	sand.u32 $0xF, s13  }
0xa7: {  	s31 =	sshra.s32 s13, $0x1F;
	p1 =	slt.s32 s13, $0x1;
	p0 =	sne.s32 s30, $0x0  }
.Ltmp5:
0xa8: {  	s14 =	sshrl.u32 s31, $0x1C;
	p0 =	por !p1, !p0;
	(pc) =	sbr.rel .LBB2_11-.Ltmp5, $4  }
0xa9: {  	s13 =	sadd.s32 s14, s13;
	s14 =	simm.s32 $0x1;
	p0 =	por !p0, !p0  }
0xaa: {  	s13 =	sshra.s32 s13, $0x4;
	s14 =	simm.s32 @!p0 $0x0  }
0xab: {  	s13 =	ssub.s32 s13, s14;
	s14 =	sshll.u32 s12, $0x13  }
0xac: {  	s11 =	ssub.s32 $0x200, s11;
	[tilespmem:s28+$0x4800] =	vst.msk vm0, v5;
	v4 =	vmov s16;
	s12 =	sadd.s32 $0x80000, s14;
	p0 =	slt.s32 s13, $0x1  }
.LBB2_12:
0xad: {  	s16 =	simm.s32 $0x0  }
.LBB2_25:
0xae: {  	p1 =	slt.s32 s16, s11;
	s16 =	smov.u32 s15  }
0xaf: {  	s16 =	smov.u32 @p1 s14;
	s12 =	smov.u32 @p1 s15  }
0xb0: {  	s14 =	ssub.s32 s12, s16  }
0xb1: {  	p1 =	sgt.s32 s14, $0x1  }
.Ltmp6:
0xb2: {  	_ = 	snop;
	(pc) =	sbr.rel @!p1 .LBB2_26-.Ltmp6, $2  }
0xb3: {  	_ =	sdelay $0x2  }
0xb4: {  	s14 =	smov.u32 s16  }
.LBB2_11:
.Ltmp7:
0xb5: {  	(pc) =	sbr.rel @p0 .LBB2_12-.Ltmp7, $3  }
0xb6: {  	_ =	sdelay $0x1  }
0xb7: {  	s15 =	sadd.s32 s14, s12  }
0xb8: {  	s15 =	sshra.s32 s15, $0x1  }
0xb9: {  	s16 =	simm.s32 $0x4800  }
0xba: {  	p5 =	sne.s32 s13, $0x1;
	v6 =	vld [tilespmem:s16+$0x0]  }
.Ltmp8:
0xbb: {  	_ = 	snop;
	(pc) =	sbr.rel @!p5 .LBB2_14-.Ltmp8, $4  }
0xbc: {  	_ = 	snop  }
0xbd: {  	s16 =	simm.s32 $0x0  }
0xbe: {  	v5 =	vmov s15;
	s17 =	sadd.s32 $0xFFFFFFFF, s13;
	s18 =	simm.s32 $0x4810;
	p1 =	por $0x0, $0x0;
	v7 =	vor.u32 s16, v0  }
0xbf: {  	p2 =	por $0x0, $0x0;
	p3 =	por $0x0, $0x0;
	p4 =	por $0x0, $0x0;
	vm0 =	vlt.s32 v7, v4;
	vm1 =	vge.s32 v6, v5  }
0xc0: {  	v6 =	vld [tilespmem:s18+$0x0];
	p5 =	sne.s32 s17, $0x1  }
.Ltmp9:
0xc1: {  	vm0 =	vmand vm0, vm1;
	(pc) =	sbr.rel @!p5 .LBB2_16-.Ltmp9, $4  }
0xc2: {  	v7 =	vmpcnt.ones.xlane vm0  }
0xc3: {  	s31 =	simm.s32 $0x10  }
0xc4: {  	v8 =	vor.u32 s31, v0;
	v7 =	vxor.u32 $0x80000000, v7  }
0xc5: {  	s17 =	sadd.s32 $0xFFFFFFFF, s17;
	s18 =	simm.s32 $0x4820;
	p1 =	por $0x1, $0x1;
	vm0 =	vlt.s32 v8, v4;
	(xrf0) =	vmax.scan.msk.u32 $0xffff, v7;
	vm1 =	vge.s32 v6, v5  }
0xc6: {  	_ =	sdelay $0x4  }
0xc7: {  	v9, _, _ =	vpop (xrf0)  }
0xc8: {  	(v2sf) =	vpush v9, $0xF;
	_ =	sdelay $0x6  }
0xc9: {  	v6 =	vld [tilespmem:s18+$0x0];
	p5 =	sne.s32 s17, $0x1  }
.Ltmp10:
0xca: {  	vm0 =	vmand vm0, vm1;
	(pc) =	sbr.rel @!p5 .LBB2_18-.Ltmp10, $4  }
0xcb: {  	v7 =	vmpcnt.ones.xlane vm0  }
0xcc: {  	s31 =	simm.s32 $0x20  }
0xcd: {  	v8 =	vor.u32 s31, v0;
	v7 =	vxor.u32 $0x80000000, v7  }
0xce: {  	s17 =	sadd.s32 $0xFFFFFFFF, s17;
	s18 =	simm.s32 $0x4830;
	p2 =	por $0x1, $0x1;
	vm0 =	vlt.s32 v8, v4;
	(xrf0) =	vmax.scan.msk.u32 $0xffff, v7;
	vm1 =	vge.s32 v6, v5  }
0xcf: {  	_ =	sdelay $0x4  }
0xd0: {  	v9, _, _ =	vpop (xrf0)  }
0xd1: {  	(v2sf) =	vpush v9, $0xF;
	_ =	sdelay $0x3  }
0xd2: {  	v6 =	vld [tilespmem:s18+$0x0];
	p5 =	sne.s32 s17, $0x1  }
.Ltmp11:
0xd3: {  	vm0 =	vmand vm0, vm1;
	(pc) =	sbr.rel @!p5 .LBB2_20-.Ltmp11, $4  }
0xd4: {  	v7 =	vmpcnt.ones.xlane vm0  }
0xd5: {  	s31 =	simm.s32 $0x30  }
0xd6: {  	v8 =	vor.u32 s31, v0;
	v7 =	vxor.u32 $0x80000000, v7  }
0xd7: {  	s17 =	sadd.s32 $0xFFFFFFFF, s17;
	s18 =	simm.s32 $0x4840;
	p3 =	por $0x1, $0x1;
	vm0 =	vlt.s32 v8, v4;
	(xrf0) =	vmax.scan.msk.u32 $0xffff, v7;
	vm1 =	vge.s32 v6, v5  }
0xd8: {  	_ =	sdelay $0x4  }
0xd9: {  	v9, _, _ =	vpop (xrf0)  }
0xda: {  	(v2sf) =	vpush v9, $0xF;
	_ =	sdelay $0x3  }
0xdb: {  	v6 =	vld [tilespmem:s18+$0x0];
	vm0 =	vmand vm0, vm1;
	p5 =	sne.s32 s17, $0x1  }
.Ltmp12:
0xdc: {  	v7 =	vmpcnt.ones.xlane vm0;
	(pc) =	sbr.rel @!p5 .LBB2_22-.Ltmp12, $4  }
0xdd: {  	_ = 	snop  }
0xde: {  	s18 =	simm.s32 $0x40;
	v7 =	vxor.u32 $0x80000000, v7  }
0xdf: {  	s19 =	sadd.s32 $0xFFFFFFFF, s17;
	v8 =	vor.u32 s18, v0;
	(xrf0) =	vmax.scan.msk.u32 $0xffff, v7  }
0xe0: {  	s20 =	simm.s32 $0x4850;
	p4 =	por $0x1, $0x1;
	s17 =	simm.s32 $0x0;
	vm0 =	vlt.s32 v8, v4;
	vm1 =	vge.s32 v6, v5  }
.LBB2_23:
0xe1: {  	v6 =	vld [tilespmem:s20+$0x0];
	p5 =	sne.s32 s19, $0x1;
	s19 =	sadd.s32 $0xFFFFFFFF, s19;
	vm0 =	vmand vm0, vm1  }
.Ltmp13:
0xe2: {  	v10 =	vmpcnt.ones.xlane vm0;
	(pc) =	sbr.rel @p5 .LBB2_23-.Ltmp13, $4  }
0xe3: {  	s21 =	spop (v2sf)  }
0xe4: {  	s18 =	sadd.s32 $0x10, s18;
	v9 =	vxor.u32 $0x80000000, v10;
	s17 =	sadd.s32 s21, s17  }
0xe5: {  	v8 =	vor.u32 s18, v0;
	(xrf0) =	vmax.scan.msk.u32 $0xffff, v9;
	v7, _, _ =	vpop (xrf0);
	s17 =	sadd.s32 $0x80000000, s17  }
0xe6: {  	s20 =	sadd.s32 $0x10, s20;
	vm0 =	vlt.s32 v8, v4;
	vm1 =	vge.s32 v6, v5;
	(v2sf) =	vpush v7, $0xF  }
.LBB2_24:
0xe7: {  	vm0 =	vmand vm0, vm1  }
0xe8: {  	v5 =	vmpcnt.ones.xlane vm0;
	_ =	sdelay $0x1  }
0xe9: {  	v5 =	vxor.u32 $0x80000000, v5  }
0xea: {  	(xrf0) =	vmax.scan.msk.u32 $0xffff, v5;
	_ =	sdelay $0x2  }
0xeb: {  	v5, _, _ =	vpop @p1 (xrf0)  }
0xec: {  	(v2sf) =	vpush @p1 v5, $0xF;
	_ =	sdelay $0x1  }
0xed: {  	v5, _, _ =	vpop (xrf0)  }
0xee: {  	(v2sf) =	vpush v5, $0xF;
	_ =	sdelay $0x2  }
0xef: {  	s18 =	spop @p4 (v2sf)  }
0xf0: {  	s17 =	sadd.s32 @p4 s18, s17  }
0xf1: {  	s18 =	simm.s32 $0x0;
	s17 =	sadd.s32 @p4 $0x80000000, s17  }
0xf2: {  	s18 =	smov.u32 @p4 s17;
	s17 =	spop @p3 (v2sf)  }
0xf3: {  	s17 =	sadd.s32 @p3 s17, s18  }
0xf4: {  	s18 =	simm.s32 $0x0;
	s17 =	sadd.s32 @p3 $0x80000000, s17  }
0xf5: {  	s18 =	smov.u32 @p3 s17;
	s17 =	spop @p2 (v2sf)  }
0xf6: {  	s17 =	sadd.s32 @p2 s17, s18  }
0xf7: {  	s18 =	simm.s32 $0x0;
	s17 =	sadd.s32 @p2 $0x80000000, s17  }
0xf8: {  	s18 =	smov.u32 @p2 s17;
	s17 =	spop @p1 (v2sf)  }
.Ltmp14:
0xf9: {  	s17 =	sadd.s32 @p1 s17, s18;
	(pc) =	sbr.rel .LBB2_25-.Ltmp14, $4  }
0xfa: {  	s17 =	sadd.s32 @p1 $0x80000000, s17  }
0xfb: {  	s16 =	smov.u32 @p1 s17;
	s31 =	spop (v2sf)  }
0xfc: {  	s16 =	sadd.s32 s31, s16  }
0xfd: {  	s16 =	sadd.s32 $0x80000000, s16  }
.LBB2_14:
.Ltmp15:
0xfe: {  	(pc) =	sbr.rel .LBB2_24-.Ltmp15, $2  }
0xff: {  	_ =	sdelay $0x2  }
0x100: {  	s17 =	simm.s32 $0x0  }
.LBB2_16:
.Ltmp16:
0x101: {  	(pc) =	sbr.rel .LBB2_24-.Ltmp16, $2  }
0x102: {  	_ =	sdelay $0x2  }
0x103: {  	s17 =	simm.s32 $0x0  }
.LBB2_18:
.Ltmp17:
0x104: {  	(pc) =	sbr.rel .LBB2_24-.Ltmp17, $2  }
0x105: {  	_ =	sdelay $0x2  }
0x106: {  	s17 =	simm.s32 $0x0  }
.LBB2_20:
.Ltmp18:
0x107: {  	(pc) =	sbr.rel .LBB2_24-.Ltmp18, $2  }
0x108: {  	_ =	sdelay $0x3  }
0x109: {  	s17 =	simm.s32 $0x0  }
.LBB2_22:
.Ltmp19:
0x10a: {  	(pc) =	sbr.rel .LBB2_24-.Ltmp19, $2  }
0x10b: {  	_ =	sdelay $0x2  }
0x10c: {  	s17 =	simm.s32 $0x0  }
.LBB2_26:
0x10d: {  	s11 =	simm.s32 $0x0  }
0x10e: {  	v5 =	vld [tilespmem:s11+$0x0];
	_ =	sdelay $0x3  }
0x10f: {  	v4 =	vmov s16  }
0x110: {  	vm0 =	vgt.s32 v5, v4  }
0x111: {  	v5 =	vmpcnt.ones.xlane vm0;
	_ =	sdelay $0x1  }
0x112: {  	v5 =	vxor.u32 $0x80000000, v5  }
0x113: {  	(xrf0) =	vmax.scan.msk.u32 $0xffff, v5;
	_ =	sdelay $0x5  }
0x114: {  	v6, _, _ =	vpop (xrf0)  }
0x115: {  	v5 =	vor.u32 s11, v0;
	(v2sf) =	vpush v6, $0xF  }
0x116: {  	s12 =	simm.s32 $0x10;
	[tilespmem:s11+$0x8880] =	vst.msk vm0, v5  }
0x117: {  	s13 =	simm.s32 $0x20;
	s14 =	simm.s32 $0x10;
	v5 =	vld [tilespmem:s12+$0x0]  }
.LBB2_27:
0x118: {  	p0 =	seq.s32 s13, $0x3FF0;
	_ =	sdelay $0x3  }
0x119: {  	vm0 =	vgt.s32 v5, v4  }
0x11a: {  	v5 =	vmpcnt.ones.xlane vm0;
	_ =	sdelay $0x1  }
0x11b: {  	v5 =	vxor.u32 $0x80000000, v5  }
0x11c: {  	(xrf0) =	vmax.scan.msk.u32 $0xffff, v5;
	_ =	sdelay $0x3  }
0x11d: {  	s15 =	spop (v2sf)  }
.Ltmp20:
0x11e: {  	s11 =	sadd.s32 s15, s11;
	(pc) =	sbr.rel @!p0 .LBB2_27-.Ltmp20, $4  }
0x11f: {  	v5 =	vor.u32 s12, v0;
	s12 =	smov.u32 s13;
	v6, _, _ =	vpop (xrf0);
	s11 =	sadd.s32 $0x80000000, s11  }
0x120: {  	[tilespmem:s11+$0x8880] =	vst.msk vm0, v5;
	(v2sf) =	vpush v6, $0xF  }
0x121: {  	s14 =	sadd.s32 $0x10, s14  }
0x122: {  	s13 =	sadd.s32 $0x10, s13;
	v5 =	vld [tilespmem:s14+$0x0]  }
0x123: {  	_ =	sdelay $0x3  }
0x124: {  	vm0 =	vgt.s32 v5, v4  }
0x125: {  	v5 =	vmpcnt.ones.xlane vm0;
	_ =	sdelay $0x1  }
0x126: {  	v5 =	vxor.u32 $0x80000000, v5  }
0x127: {  	(xrf0) =	vmax.scan.msk.u32 $0xffff, v5;
	_ =	sdelay $0x5  }
0x128: {  	v5, _, _ =	vpop (xrf0)  }
0x129: {  	(v2sf) =	vpush v5, $0xF;
	_ =	sdelay $0xc  }
0x12a: {  	s13 =	spop (v2sf)  }
0x12b: {  	s11 =	sadd.s32 s13, s11  }
0x12c: {  	s11 =	sadd.s32 $0x80000000, s11;
	s30 =	spop (v2sf)  }
0x12d: {  	v5 =	vor.u32 s12, v0;
	s31 =	sadd.s32 s30, s11  }
0x12e: {  	[tilespmem:s11+$0x8880] =	vst.msk vm0, v5;
	s11 =	sadd.s32 $0x80000000, s31  }
0x12f: {  	s12 =	ssub.s32 $0x200, s11  }
0x130: {  	v5 =	vmov s12;
	s12 =	simm.s32 $0x0  }
0x131: {  	v6 =	vld [tilespmem:s12+$0x0];
	_ =	sdelay $0x4  }
0x132: {  	vm15 =	veq.s32 v6, v4  }
0x133: {  	v6 =	vsel vm15, $0x1, v1  }
0x134: {  	(xrf0) =	vadd.scan.msk.s32 $0xffff, v6;
	_ =	sdelay $0x5  }
0x135: {  	v6, _, _ =	vpop (xrf0)  }
0x136: {  	v6 =	vadd.s32 s12, v6  }
0x137: {  	vm1 =	vle.s32 v6, v5  }
0x138: {  	vm0 =	vmand vm15, vm1  }
0x139: {  	v6 =	vmpcnt.ones.xlane vm0;
	_ =	sdelay $0x1  }
0x13a: {  	v6 =	vxor.u32 $0x80000000, v6  }
0x13b: {  	(xrf0) =	vmax.scan.msk.u32 $0xffff, v6;
	_ =	sdelay $0x2  }
0x13c: {  	v6 =	vor.u32 s12, v0;
	_ =	sdelay $0x2  }
0x13d: {  	[tilespmem:s11+$0x8880] =	vst.msk vm0, v6;
	v6, _, _ =	vpop (xrf0)  }
0x13e: {  	(v2sf) =	vpush v6, $0xF;
	_ =	sdelay $0x2  }
0x13f: {  	s13 =	simm.s32 $0x10  }
0x140: {  	s14 =	simm.s32 $0x20;
	s15 =	simm.s32 $0x10;
	v6 =	vld [tilespmem:s13+$0x0]  }
.LBB2_29:
0x141: {  	p0 =	sne.s32 s14, $0x3FF0;
	_ =	sdelay $0x3  }
0x142: {  	vm0 =	veq.s32 v6, v4  }
0x143: {  	v6 =	vsel vm0, $0x1, v1  }
0x144: {  	(xrf0) =	vadd.scan.msk.s32 $0xffff, v6;
	_ =	sdelay $0x3  }
0x145: {  	s16 =	spop (v2sf)  }
0x146: {  	s16 =	sxor.u32 $0x80000000, s16  }
0x147: {  	v6, _, _ =	vpop (xrf0);
	s11 =	sadd.s32 s11, s16;
	s12 =	sadd.s32 s12, s16  }
0x148: {  	v6 =	vadd.s32 s12, v6  }
0x149: {  	vm1 =	vle.s32 v6, v5  }
0x14a: {  	v6 =	vor.u32 s13, v0;
	s13 =	smov.u32 s14;
	vm0 =	vmand vm0, vm1  }
0x14b: {  	[tilespmem:s11+$0x8880] =	vst.msk vm0, v6;
	v6 =	vmpcnt.ones.xlane vm0;
	_ =	sdelay $0x1  }
0x14c: {  	v6 =	vxor.u32 $0x80000000, v6  }
0x14d: {  	(xrf0) =	vmax.scan.msk.u32 $0xffff, v6;
	_ =	sdelay $0x5  }
0x14e: {  	v6, _, _ =	vpop (xrf0)  }
.Ltmp21:
0x14f: {  	(v2sf) =	vpush v6, $0xF;
	(pc) =	sbr.rel @p0 .LBB2_29-.Ltmp21, $3  }
0x150: {  	_ =	sdelay $0x1  }
0x151: {  	s15 =	sadd.s32 $0x10, s15  }
0x152: {  	s14 =	sadd.s32 $0x10, s14;
	v6 =	vld [tilespmem:s15+$0x0]  }
0x153: {  	_ =	sdelay $0x3  }
0x154: {  	vm0 =	veq.s32 v6, v4  }
0x155: {  	v4 =	vsel vm0, $0x1, v1  }
0x156: {  	(xrf0) =	vadd.scan.msk.s32 $0xffff, v4;
	_ =	sdelay $0x3  }
0x157: {  	s14 =	spop (v2sf)  }
0x158: {  	s14 =	sxor.u32 $0x80000000, s14  }
0x159: {  	v4, _, _ =	vpop (xrf0);
	s12 =	sadd.s32 s12, s14  }
0x15a: {  	v4 =	vadd.s32 s12, v4  }
0x15b: {  	vm1 =	vle.s32 v4, v5  }
0x15c: {  	vm0 =	vmand vm0, vm1  }
0x15d: {  	v4 =	vmpcnt.ones.xlane vm0;
	_ =	sdelay $0x1  }
0x15e: {  	v4 =	vxor.u32 $0x80000000, v4  }
0x15f: {  	(xrf0) =	vmax.scan.msk.u32 $0xffff, v4;
	_ =	sdelay $0x5  }
0x160: {  	v4, _, _ =	vpop (xrf0)  }
0x161: {  	(v2sf) =	vpush v4, $0xF;
	_ =	sdelay $0xa  }
0x162: {  	s2 =	sadd.s32 $0x1, s2;
	s11 =	sadd.s32 s11, s14;
	v4 =	vor.u32 s13, v0  }
0x163: {  	p0 =	sne.s32 s2, s5;
	[tilespmem:s11+$0x8880] =	vst.msk vm0, v4  }
0x164: {  	[hbm4b:s3+s6] =	stream.strided.scatter [tilespmem:s10], [sflag:$0x1], $0x200, s7, s6, $0x38;
	[tilespmem:$0x8B00] =	vst v63  }
.Ltmp22:
0x165: {  	_ = 	snop;
	(pc) =	sbr.rel @p0 .LBB2_2-.Ltmp22, $4  }
0x166: {  	s31 =	spop (v2sf)  }
0x167: {  	_ =	swait.ge [sflag:s8], $0x200  }
0x168: {  	[sflag:s8] =	ssyncset.done $0x0  }
0x169: {  	[sflag:s8] =	ssyncadd.s32 $0xFFFFFE00  }
.LBB2_31:
0x16a: {  	_ =	sfence.sel $0x180000  }
0x16b: {  	[bflag:$0x0] =	sbarrier.arrive $0xFFFF  }
0x16c: {  	p0 =	sne.s32 s1, $0x0;
	_ =	strace $0x90000047  }
0x16d: {  	s0 =	sadd.s32 @!p0 $0x100000, s0;
	[bflag:$0x2] =	sbarrier.arrive $0xFFFF  }
0x16e: {  	[sflag:s0] =	ssyncadd.tile.s32 @!p0 $0x1;
	_ =	shalt  }
.Lfunc_end2:
_tile_overlayer_lowered:
.L_overlay_start_2:
0x16f: {  	(tag) =	ssettag $0x2  }
0x170: {  	s0 =	rddreg [dreg:$0x0];
	s2 =	stileid.u32  }
0x171: {  	s1 =	rddreg [dreg:$0x1];
	p0 =	sne.s32 s2, $0x0  }
0x172: {  	s3 =	rddreg [dreg:$0x2];
	[bflag:$0x3] =	sbarrier.arrive $0xFFFF;
	s2 =	simm.s32 @!p0 $0x1C01  }
0x173: {  	[timem:s3], [sflag:s2] =	dma.local @!p0 [hbm:s0], s1  }
0x174: {  	s0 =	simm.s32 @!p0 $0x1  }
0x175: {  	_ =	swait.ge @!p0 [sflag:s0], s1  }
0x176: {  	s1 =	ssub.s32 @!p0 $0x0, s1;
	[sflag:s0] =	ssyncset.done @!p0 $0x0  }
0x177: {  	[sflag:s0] =	ssyncadd.s32 @!p0 s1  }
0x178: {  	[bflag:$0x3] =	sbarrier.arrive $0xFFFF  }
0x179: {  	_ =	shalt  }

// kernel: kernel.8.cloned.1.call-start
scs
__scs_entry_jumppad:
0x0: {  	(pc) =	sbr.rel $0x88, $3  }
0x1: {  	(tag) =	ssettag $0x0;
	lr =	simm.s32 $0x1  }
0x2: {  	[smem:$0x3F9E] =	sst lr;
	_ =	strace $0xD0000000  }
0x3: {  	_ = 	snop  }
0x4: {  	_ = 	snop  }
0x5: {  	_ = 	snop  }
0x6: {  	_ = 	snop  }
0x7: {  	_ = 	snop  }
__scs_overlays_trampoline_lowered:
0x8: {  	[smem:$0x3FAD] =	sst s0  }
0x9: {  	[smem:$0x3FAE] =	sst s1  }
0xa: {  	[smem:$0x3FAF] =	sst s2  }
0xb: {  	[smem:$0x3FB0] =	sst s3  }
0xc: {  	[smem:$0x3FB1] =	sst s4  }
0xd: {  	[smem:$0x3FB2] =	sst s5  }
0xe: {  	[smem:$0x3FB3] =	sst s6  }
0xf: {  	[smem:$0x3FB4] =	sst s7  }
0x10: {  	[smem:$0x3FB5] =	sst s8  }
0x11: {  	[smem:$0x3FB6] =	sst s9;
	s0 =	simm.s32 @!p0 $0x0  }
0x12: {  	s1 =	sld [smem:$0x3F9C];
	s0 =	simm.s32 @p0 $0x1  }
0x13: {  	[smem:$0x3FB7] =	sst s0;
	s0 =	simm.s32 @!p1 $0x0  }
0x14: {  	s2 =	sld [smem:$0x3F9B];
	s0 =	simm.s32 @p1 $0x1  }
0x15: {  	[smem:$0x3FB8] =	sst s0;
	s0 =	simm.s32 @!p2 $0x0  }
0x16: {  	s3 =	sld [smem:$0x3FDB];
	s0 =	simm.s32 @p2 $0x1  }
0x17: {  	s4 =	simm.s32 $0x1BF5;
	[smem:$0x3FBA] =	sst s0  }
0x18: {  	s0 =	sld [smem:$0x3F9D];
	_ =	swait.ge [sflag:s4], $0x0  }
0x19: {  	s7 =	sld [smem:$0x3F9E]  }
0x1a: {  	s8 =	sadd.s32 $0xFFFFE003, lr  }
0x1b: {  	s9 =	sadd.s32 $0xFFFFFEF7, lr;
	s5 =	simm.s32 $0xFFFFFFFF;
	p2 =	slt.u32 s8, $0xFFFFF086  }
0x1c: {  	p1 =	slt.u32 s9, $0xF7A;
	s5 =	simm.s32 @!p2 $0x0  }
0x1d: {  	s5 =	simm.s32 @p1 $0x1;
	p0 =	seq.s32 s7, s2  }
0x1e: {  	s7 =	smul.u32 @!p0 $0xF7A, s2;
	p2 =	seq.s32 @!p0 s5, $0x0  }
0x1f: {  	s9 =	smul.u32 $0xF7A, s1;
	s8 =	simm.s32 @!p0 $0x1BF5;
	p2 =	por !p2, p0  }
0x20: {  	[sflag:s8] =	ssyncset.s32 @!p0 $0xFFFFF086;
	s6 =	sadd.s32 @!p0 s3, s7;
	s7 =	simm.s32 @!p0 $0x108  }
0x21: {  	s3 =	sadd.s32 s3, s9;
	s6 =	sadd.s32 @!p0 $0x88, s6;
	s7 =	simm.s32 @p2 $0x1082  }
0x22: {  	[simem:s7], [sflag:s8] =	dma.local @!p0 [hbm:s6], $0xF7A  }
0x23: {  	s9 =	sor.u32 $0xD0000000, s2;
	s6 =	simm.s32 $0x108;
	_ =	swait.ge @!p0 [sflag:s8], $0x0  }
0x24: {  	s3 =	sadd.s32 $0x88, s3;
	s6 =	simm.s32 @!p1 $0x1082;
	[sflag:s4] =	ssyncset.s32 $0xFFFFF086  }
0x25: {  	[simem:s6], [sflag:s4] =	dma.local [hbm:s3], $0xF7A  }
0x26: {  	[smem:$0x3F9E] =	sst s1;
	(tag) =	ssettag s2;
	_ =	strace s9  }
0x27: {  	s1 =	sld [smem:$0x3FAE]  }
0x28: {  	s2 =	sld [smem:$0x3FAF]  }
0x29: {  	s4 =	sld [smem:$0x3FB1]  }
0x2a: {  	p0 =	seq.s32 s5, $0x0;
	s5 =	sld [smem:$0x3FB2]  }
0x2b: {  	s6 =	sld [smem:$0x3FB3]  }
0x2c: {  	s7 =	sld [smem:$0x3FB4]  }
0x2d: {  	s3 =	simm.s32 $0x108;
	s8 =	sld [smem:$0x3FB5]  }
0x2e: {  	s3 =	simm.s32 @!p0 $0x1082;
	s9 =	sld [smem:$0x3FB6]  }
0x2f: {  	lr =	sadd.s32 s0, s3;
	s0 =	sld [smem:$0x3FAD]  }
0x30: {  	s3 =	sld [smem:$0x3FB0]  }
0x31: {  	[smem:$0x3FB9] =	sst s10  }
0x32: {  	s10 =	sld [smem:$0x3FB7];
	_ =	sdelay $0x3  }
0x33: {  	p0 =	seq.s32 s10, $0x1;
	s10 =	sld [smem:$0x3FB9];
	_ =	sdelay $0x3  }
0x34: {  	[smem:$0x3FB9] =	sst s10  }
0x35: {  	s10 =	sld [smem:$0x3FB8];
	_ =	sdelay $0x3  }
0x36: {  	p1 =	seq.s32 s10, $0x1;
	s10 =	sld [smem:$0x3FB9];
	_ =	sdelay $0x3  }
0x37: {  	[smem:$0x3FB9] =	sst s10  }
0x38: {  	s10 =	sld [smem:$0x3FBA]  }
0x39: {  	_ = 	snop;
	(pc) =	sbr.ind lr, $3  }
0x3a: {  	_ = 	snop  }
0x3b: {  	_ = 	snop  }
0x3c: {  	p2 =	seq.s32 s10, $0x1;
	s10 =	sld [smem:$0x3FB9]  }
0x3d: {  	_ =	shalt  }
0x3e: {  	_ =	shalt  }
0x3f: {  	_ =	shalt  }
0x40: {  	_ =	shalt  }
0x41: {  	_ =	shalt  }
0x42: {  	_ =	shalt  }
0x43: {  	_ =	shalt  }
0x44: {  	_ =	shalt  }
0x45: {  	_ =	shalt  }
0x46: {  	_ =	shalt  }
0x47: {  	_ =	shalt  }
0x48: {  	_ =	shalt  }
0x49: {  	_ =	shalt  }
0x4a: {  	_ =	shalt  }
0x4b: {  	_ =	shalt  }
0x4c: {  	_ =	shalt  }
0x4d: {  	_ =	shalt  }
0x4e: {  	_ =	shalt  }
0x4f: {  	_ =	shalt  }
0x50: {  	_ =	shalt  }
0x51: {  	_ =	shalt  }
0x52: {  	_ =	shalt  }
0x53: {  	_ =	shalt  }
0x54: {  	_ =	shalt  }
0x55: {  	_ =	shalt  }
0x56: {  	_ =	shalt  }
0x57: {  	_ =	shalt  }
0x58: {  	_ =	shalt  }
0x59: {  	_ =	shalt  }
0x5a: {  	_ =	shalt  }
0x5b: {  	_ =	shalt  }
0x5c: {  	_ =	shalt  }
0x5d: {  	_ =	shalt  }
0x5e: {  	_ =	shalt  }
0x5f: {  	_ =	shalt  }
0x60: {  	_ =	shalt  }
0x61: {  	_ =	shalt  }
0x62: {  	_ =	shalt  }
0x63: {  	_ =	shalt  }
0x64: {  	_ =	shalt  }
0x65: {  	_ =	shalt  }
0x66: {  	_ =	shalt  }
0x67: {  	_ =	shalt  }
0x68: {  	_ =	shalt  }
0x69: {  	_ =	shalt  }
0x6a: {  	_ =	shalt  }
0x6b: {  	_ =	shalt  }
0x6c: {  	_ =	shalt  }
0x6d: {  	_ =	shalt  }
0x6e: {  	_ =	shalt  }
0x6f: {  	_ =	shalt  }
0x70: {  	_ =	shalt  }
0x71: {  	_ =	shalt  }
0x72: {  	_ =	shalt  }
0x73: {  	_ =	shalt  }
0x74: {  	_ =	shalt  }
0x75: {  	_ =	shalt  }
0x76: {  	_ =	shalt  }
0x77: {  	_ =	shalt  }
0x78: {  	_ =	shalt  }
0x79: {  	_ =	shalt  }
0x7a: {  	_ =	shalt  }
0x7b: {  	_ =	shalt  }
0x7c: {  	_ =	shalt  }
0x7d: {  	_ =	shalt  }
0x7e: {  	_ =	shalt  }
0x7f: {  	_ =	shalt  }
0x80: {  	_ =	shalt  }
0x81: {  	_ =	shalt  }
0x82: {  	_ =	shalt  }
0x83: {  	_ =	shalt  }
0x84: {  	_ =	shalt  }
0x85: {  	_ =	shalt  }
0x86: {  	_ =	shalt  }
0x87: {  	_ =	shalt  }
.Lfunc_end0:
.L_simem_size_0:
called_computation.1_lowered:
.L_overlay_start_0:
0x88: {  	s2 =	sld [smem:$0x3FD9]  }
0x89: {  	s3 =	sld [smem:$0x3FFE];
	_ =	sdelay $0x1  }
0x8a: {  	s1 =	srdreg.scid  }
0x8b: {  	s0 =	sand.u32 $0x1, s1  }
0x8c: {  	s17 =	sshll.u32 s0, $0xA;
	s2 =	sadd.s32 s3, s2  }
0x8d: {  	s2 =	sadd.s32 s2, s17  }
0x8e: {  	[smem:$0x3FC5] =	sst s2  }
0x8f: {  	_ = 	snop  }
0x90: {  	s2 =	sld [smem:$0x3FD0];
	(tm) =	ssettm $0x1  }
0x91: {  	s18 =	sld [smem:$0x3FFB];
	_ =	sdelay $0x3  }
0x92: {  	_ =	strace s18  }
0x93: {  	s3 =	sld [smem:$0x3FFC];
	_ =	sdelay $0x3  }
0x94: {  	_ =	strace s3  }
0x95: {  	s3 =	sld [smem:$0x3FFD];
	_ =	sdelay $0x3  }
0x96: {  	_ =	strace s3  }
0x97: {  	_ =	strace $0x8FFFFFFF  }
0x98: {  	s19 =	sld [smem:$0x3FDB];
	_ =	sdelay $0x1  }
0x99: {  	s4 =	simm.s32 $_scs_section_size  }
0x9a: {  	s5 =	simm.s32 $_size__tile_overlayer_lowered;
	s6 =	simm.s32 $_tile_overlayer_lowered  }
0x9b: {  	s22 =	simm.s32 $0x1BFF;
	s21 =	sshll.u32 s6, $0x1;
	s3 =	sadd.s32 s4, s19  }
0x9c: {  	s7 =	simm.s32 $0x0;
	s20 =	sshll.u32 s5, $0x1;
	s5 =	sadd.s32 s21, s3  }
0x9d: {  	[timem:s7], [sflag:s22] =	dma.local [hbm:s5], s20  }
0x9e: {  	_ =	swait.ge [sflag:s22], s20  }
0x9f: {  	s4 =	ssub.s32 $0x0, s20;
	[sflag:s22] =	ssyncset.done $0x0  }
0xa0: {  	[sflag:s22] =	ssyncadd.s32 s4;
	_ =	sdelay $0x1  }
0xa1: {  	s23 =	simm.s32 $0x1B8B  }
0xa2: {  	_ =	swait.ge [sflag:s23], $0x1  }
0xa3: {  	[sflag:s23] =	ssyncset.done $0x0  }
0xa4: {  	s25 =	simm.s32 $0x1B8E;
	s24 =	sld [smem:$0x3FFE];
	[sflag:s23] =	ssyncadd.s32 $0xFFFFFFFF  }
0xa5: {  	s26 =	simm.s32 $execute0_lowered;
	[smem:$0x3FD2] =	sst s25  }
0xa6: {  	s5 =	sshll.u32 s26, $0x1;
	_ =	strace $0x80000049;
	[dreg:$0x1] =	wrdreg $0xFFFFFFFF  }
0xa7: {  	s28 =	simm.s32 $_size_execute0_lowered;
	s3 =	sadd.s32 s3, s5;
	[dreg:$0x0] =	wrdreg $0x0  }
0xa8: {  	s5 =	sshll.u32 s28, $0x1;
	[dreg:$0x2] =	wrdreg s3  }
0xa9: {  	[dreg:$0x3] =	wrdreg s5  }
0xaa: {  	[dreg:$0x4] =	wrdreg $0xC0  }
0xab: {  	_ =	task [dreg:s7], $0x5FFFF  }
0xac: {  	[dreg:$0x1] =	wrdreg $0xFFFFFFFF  }
0xad: {  	[dreg:$0x0] =	wrdreg $0x60  }
0xae: {  	[dreg:$0x2] =	wrdreg s2  }
0xaf: {  	[dreg:$0x3] =	wrdreg s24  }
0xb0: {  	[dreg:$0x4] =	wrdreg $0x9  }
0xb1: {  	_ =	task.clear_ibuf [dreg:s7], $0x5FFFF;
	_ =	strace $0x90000049  }
0xb2: {  	s29 =	simm.s32 $0x9;
	_ =	strace $0x8000004B  }
0xb3: {  	_ =	swait.ge [sflag:s29], $0x1  }
0xb4: {  	[sflag:s29] =	ssyncadd.s32 $0xFFFFFFFF  }
0xb5: {  	_ =	strace $0x9000004B  }
0xb6: {  	_ =	sfence  }
0xb7: {  	s30 =	sld [smem:$0x0];
	_ =	sdelay $0x2  }
0xb8: {  	s31 =	sshll.u32 s1, $0xD;
	s1 =	sshrl.u32 s1, $0x2  }
0xb9: {  	s3 =	sand.u32 $0x4000, s31;
	s1 =	sadd.s32 s1, s30  }
0xba: {  	s0 =	sor.u32 s3, s0;
	s1 =	sshll.u32 s1, $0x11  }
0xbb: {  	s0 =	sor.u32 s1, s0  }
0xbc: {  	s0 =	sadd.s32 $0x8F2B, s0  }
0xbd: {  	[sflag:s0] =	ssyncadd.remote.s32 $0x1  }
0xbe: {  	_ =	sfence.sel $0xFFFF  }
0xbf: {  	[dreg:$0x0] =	wrdreg $0xFFFFFFFF;
	(pc) =	sbr.abs _section_cstart, $3  }
0xc0: {  	[dreg:$0x1] =	wrdreg $0xFFFFFFFF  }
0xc1: {  	_ =	task.clear_ibuf [dreg:s7], $0x2FFFF;
	_ =	strace $0x9FFFFFFF  }
0xc2: {  	(tm) =	ssettm $0x7FFFFFFF  }
0xc3: {  	_ =	shalt  }
tec
execute0_lowered:
.L_overlay_start_1:
0x0: {  	(tag) =	ssettag $0x1  }
0x1: {  	s1 =	stileid.u32  }
0x2: {  	p0 =	sgt.u32 s1, $0x3  }
.Ltmp0:
0x3: {  	_ = 	snop;
	(pc) =	sbr.rel @p0 .LBB2_7-.Ltmp0, $4  }
0x4: {  	s4 =	rddreg [dreg:$0x0]  }
0x5: {  	s5 =	rddreg [dreg:$0x1];
	s2 =	simm.s32 $0x0  }
0x6: {  	[smem:$0x7FF] =	sst s2  }
0x7: {  	s0 =	rddreg [dreg:$0x2];
	_ =	strace $0x8000004A  }
0x8: {  	s3 =	srdreg.scid  }
0x9: {  	s11 =	sand.u32 $0x1, s3  }
0xa: {  	s3 =	sor.u32 s11, s1  }
0xb: {  	p1 =	seq.s32 s11, $0x1;
	p0 =	seq.s32 s3, $0x0  }
0xc: {  	s8 =	sadd.s32 $0xA00, s5;
	p0 =	por !p0, !p1  }
0xd: {  	s13 =	simm.s32 $0x0;
	s3 =	simm.s32 $0x1;
	p0 =	por !p0, !p0  }
0xe: {  	s7 =	sshll.u32 s11, $0x7;
	s30 =	ssub.s32 $0x2, s11;
	s3 =	simm.s32 @!p0 $0x0  }
0xf: {  	s12 =	sxor.u32 $0x1, s11;
	v1 =	vmov s11;
	s11 =	simm.s32 $0x100;
	s6 =	ssub.s32 s1, s3  }
0x10: {  	s31 =	sshrl.u32 s30, $0x1;
	v0 =	vmov s12;
	s12 =	simm.s32 $0x4200;
	s3 =	sshll.u32 s6, $0xF  }
0x11: {  	s10 =	sshll.u32 s6, $0xA;
	s29 =	sshll.u32 s6, $0x9;
	s6 =	sshll.u32 s6, $0x7  }
0x12: {  	s3 =	sor.u32 s7, s3;
	s7 =	sor.u32 s7, s10;
	s6 =	sand.u32 $0x180, s6  }
0x13: {  	s10 =	simm.s32 $0x4000;
	s9 =	sshrl.u32 s3, $0x3;
	s3 =	simm.s32 $0x1  }
0x14: {  	s7 =	sshrl.u32 s7, $0x3;
	s28 =	sadd.s32 s9, s5;
	s9 =	sand.u32 $0xFFFFF800, s29  }
0x15: {  	s4 =	sadd.s32 s4, s7;
	s7 =	ssub.s32 s30, s31;
	s6 =	sor.u32 s6, s9  }
0x16: {  	s5 =	sadd.s32 $0xC00, s28;
	s7 =	smax.u32 s7, $0x1;
	s6 =	sshrl.u32 s6, $0x3  }
0x17: {  	v2 =	vimm.f32 $0.0e+00;
	s9 =	simm.s32 $0x200;
	s6 =	sadd.s32 s8, s6;
	s8 =	simm.s32 $0x80  }
.LBB2_2:
0x18: {  	s14 =	simm.s32 $0x40;
	s15 =	simm.s32 $0x0  }
.LBB2_3:
0x19: {  	p0 =	sne.s32 s14, $0xFFC0;
	[tilespmem:s15+$0x0] =	vst v2;
	s15 =	smov.u32 s14;
	s14 =	sadd.s32 $0x40, s14  }
.Ltmp1:
0x1a: {  	(pc) =	sbr.rel @p0 .LBB2_3-.Ltmp1, $2  }
0x1b: {  	_ =	sdelay $0x2  }
0x1c: {  	s15 =	sshra.s32 s15, $0x2  }
0x1d: {  	[tilespmem:s15+$0x0] =	vst v2  }
0x1e: {  	[tilespmem:s10], [sflag:$0x1] =	stream.strided.gather [hbm4b:s6+s8], $0x200, s9, s8, $0x38;
	[tilespmem:$0x4400] =	vst v63  }
0x1f: {  	_ =	swait.ge [sflag:s3], $0x200  }
0x20: {  	[sflag:s3] =	ssyncset.done $0x0  }
0x21: {  	[sflag:s3] =	ssyncadd.s32 $0xFFFFFE00  }
0x22: {  	[tilespmem:s12], [sflag:$0x1] =	stream.strided.gather [hbm4b:s4+s8], $0x200, s11, s8, $0x38;
	[tilespmem:$0x4400] =	vst v63  }
0x23: {  	_ =	swait.ge [sflag:s3], $0x200  }
0x24: {  	[sflag:s3] =	ssyncset.done $0x0  }
0x25: {  	s15 =	simm.s32 $0x0;
	s14 =	simm.s32 $0x40;
	[sflag:s3] =	ssyncadd.s32 $0xFFFFFE00  }
.LBB2_5:
0x26: {  	p0 =	sne.s32 s14, $0x7C0;
	v3 =	vld [tilespmem:s15+$0x4000];
	_ =	sdelay $0x4  }
0x27: {  	v4 =	vand.u32 $0x7F, v3;
	v5 =	vshra.s32 v3, $0x7  }
0x28: {  	v6 =	vld [tilespmem:s15+$0x4200];
	v4 =	vmul.u32 v0, v4;
	v5 =	vmul.u32 v1, v5;
	_ =	sdelay $0x1  }
0x29: {  	v4 =	vadd.s32 v5, v4  }
.Ltmp2:
0x2a: {  	v4 =	vcvt.s32.f32 v4;
	(pc) =	sbr.rel @p0 .LBB2_5-.Ltmp2, $3  }
0x2b: {  	_ = 	snop  }
0x2c: {  	v4 =	vsub.f32 v6, v4;
	_ =	sdelay $0x1  }
0x2d: {  	s15 =	sshra.s32 s14, $0x2;
	s14 =	sadd.s32 $0x40, s14;
	[tilespmem:v3+s2+$0x0] =	vst.idx.msk $0xffff, v4  }
0x2e: {  	v3 =	vld [tilespmem:s15+$0x4000];
	_ =	sdelay $0x4  }
0x2f: {  	v4 =	vand.u32 $0x7F, v3;
	v5 =	vshra.s32 v3, $0x7  }
0x30: {  	v6 =	vld [tilespmem:s15+$0x4200];
	v4 =	vmul.u32 v0, v4;
	v5 =	vmul.u32 v1, v5;
	_ =	sdelay $0x1  }
0x31: {  	v4 =	vadd.s32 v5, v4  }
0x32: {  	v4 =	vcvt.s32.f32 v4;
	_ =	sdelay $0x1  }
0x33: {  	s13 =	sadd.s32 $0x1, s13;
	v4 =	vsub.f32 v6, v4  }
0x34: {  	p0 =	sne.s32 s13, s7  }
.Ltmp3:
0x35: {  	[tilespmem:v3+s2+$0x0] =	vst.idx.msk $0xffff, v4;
	(pc) =	sbr.rel @p0 .LBB2_2-.Ltmp3, $4  }
0x36: {  	[hbm4b:s5+s8] =	stream.strided.scatter [tilespmem:s2], [sflag:$0x1], $0x4000, s11, s8, $0x38;
	[tilespmem:$0x4400] =	vst v63  }
0x37: {  	_ =	swait.ge [sflag:s3], $0x4000  }
0x38: {  	[sflag:s3] =	ssyncset.done $0x0  }
0x39: {  	[sflag:s3] =	ssyncadd.s32 $0xFFFFC000  }
.LBB2_7:
0x3a: {  	_ =	sfence.sel $0x180000  }
0x3b: {  	[bflag:$0x0] =	sbarrier.arrive $0xFFFF  }
0x3c: {  	p0 =	sne.s32 s1, $0x0;
	_ =	strace $0x9000004A  }
0x3d: {  	s0 =	sadd.s32 @!p0 $0x100000, s0;
	[bflag:$0x2] =	sbarrier.arrive $0xFFFF  }
0x3e: {  	[sflag:s0] =	ssyncadd.tile.s32 @!p0 $0x1;
	_ =	shalt  }
.Lfunc_end2:
_tile_overlayer_lowered:
.L_overlay_start_2:
0x3f: {  	(tag) =	ssettag $0x2  }
0x40: {  	s0 =	rddreg [dreg:$0x0];
	s2 =	stileid.u32  }
0x41: {  	s1 =	rddreg [dreg:$0x1];
	p0 =	sne.s32 s2, $0x0  }
0x42: {  	s3 =	rddreg [dreg:$0x2];
	[bflag:$0x3] =	sbarrier.arrive $0xFFFF;
	s2 =	simm.s32 @!p0 $0x1C01  }
0x43: {  	[timem:s3], [sflag:s2] =	dma.local @!p0 [hbm:s0], s1  }
0x44: {  	s0 =	simm.s32 @!p0 $0x1  }
0x45: {  	_ =	swait.ge @!p0 [sflag:s0], s1  }
0x46: {  	s1 =	ssub.s32 @!p0 $0x0, s1;
	[sflag:s0] =	ssyncset.done @!p0 $0x0  }
0x47: {  	[sflag:s0] =	ssyncadd.s32 @!p0 s1  }
0x48: {  	[bflag:$0x3] =	sbarrier.arrive $0xFFFF  }
0x49: {  	_ =	shalt  }

</sc_bundles>
